<compile_context>
chip_gen: v7x
topology: tpu7x:2x2x1
jax: 0.10.2.dev20260603
libtpu: 0.0.44.dev20260713+nightly
codegen_flags: <defaults>
</compile_context>

<pallas_src>
import jax
import jax.numpy as jnp
from jax import lax
from jax.experimental import pallas as pl
from jax.experimental.pallas import tpu as pltpu
from jax.experimental.pallas import tpu_sc as plsc

N = 16384
NUM_EVENT = 1000000
VP = 6.0
VS = 6.0 / 1.73
NC = 2
NS = 16
NW = NC * NS
S = N // NW


def _sc_body(eti_ref, ex_ref, ey_ref, ez_ref, et_ref,
             x0_ref, x1_ref, y0_ref, y1_ref, z0_ref, z1_ref,
             t0_ref, t1_ref,
             eti_v, loc_v, time_v, sem):
    wid = lax.axis_index("s") * NC + lax.axis_index("c")

    pltpu.sync_copy(eti_ref.at[wid], eti_v)

    CH = 256
    copies = []
    for seg, tbl in enumerate((ex_ref, ey_ref, ez_ref)):
        for j in range(2 * S // CH):
            copies.append(pltpu.async_copy(
                tbl.at[eti_v.at[pl.ds(j * CH, CH)]],
                loc_v.at[pl.ds(seg * 2 * S + j * CH, CH)], sem))
    for j in range(2 * S // CH):
        copies.append(pltpu.async_copy(
            et_ref.at[eti_v.at[pl.ds(j * CH, CH)]],
            time_v.at[pl.ds(j * CH, CH)], sem))
    for c in copies:
        c.wait()

    outs = (x0_ref, x1_ref, y0_ref, y1_ref, z0_ref, z1_ref)
    for seg, ref in enumerate(outs):
        pltpu.sync_copy(loc_v.at[pl.ds(seg * S, S)],
                        ref.at[pl.ds(wid * S, S)])
    pltpu.sync_copy(time_v.at[pl.ds(0, S)], t0_ref.at[pl.ds(wid * S, S)])
    pltpu.sync_copy(time_v.at[pl.ds(S, S)], t1_ref.at[pl.ds(wid * S, S)])


def _tc_body(sid_ref, slx_ref, sly_ref, slz_ref,
             x0_ref, y0_ref, z0_ref, x1_ref, y1_ref, z1_ref,
             t0_ref, t1_ref, pt_ref, ptm_ref, pw_ref,
             pred_ref, loss_ref):
    sid = sid_ref[...]
    def lut(ref):
        t = jnp.broadcast_to(ref[...], (128, 128))
        return jnp.take_along_axis(t, sid, axis=1)
    sx = lut(slx_ref)
    sy = lut(sly_ref)
    sz = lut(slz_ref)
    dx0 = x0_ref[...] - sx
    dy0 = y0_ref[...] - sy
    dz0 = z0_ref[...] - sz
    dx1 = x1_ref[...] - sx
    dy1 = y1_ref[...] - sy
    dz1 = z1_ref[...] - sz
    s0 = dx0 * dx0 + dy0 * dy0 + dz0 * dz0
    s1 = dx1 * dx1 + dy1 * dy1 + dz1 * dz1
    inv_v = jnp.where(pt_ref[...] == 0,
                      jnp.float32(1.0 / VP), jnp.float32(1.0 / VS))
    pred = (t0_ref[...] - t1_ref[...]) + (jnp.sqrt(s0) - jnp.sqrt(s1)) * inv_v
    pred_ref[...] = pred
    err = pred - ptm_ref[...]
    ae = jnp.abs(err)
    hub = jnp.where(ae < 1.0, 0.5 * err * err, ae - 0.5)
    loss_ref[0, 0] = jnp.sum(hub * pw_ref[...])


def _seg(x):
    return x.reshape(NW, 4, 128)


@jax.jit
def kernel(station_index, event_index, phase_type, phase_time, phase_weight,
           event_loc_w, event_time_w, station_loc_w, station_dt_w):
    del station_dt_w
    ei = event_index.astype(jnp.int32)
    eti = jnp.concatenate([_seg(ei[:, 0]), _seg(ei[:, 1])],
                          axis=1).reshape(NW, 2 * S)
    catT = jnp.concatenate([event_loc_w, event_time_w], axis=1).T
    ex, ey, ez, et = catT[0], catT[1], catT[2], catT[3]

    mesh = plsc.VectorSubcoreMesh(core_axis_name="c", subcore_axis_name="s")
    sc = pl.kernel(
        _sc_body,
        out_type=tuple(
            jax.ShapeDtypeStruct((N,), jnp.float32) for _ in range(8)),
        mesh=mesh,
        scratch_types=[
            pltpu.VMEM((2 * S,), jnp.int32),
            pltpu.VMEM((6 * S,), jnp.float32),
            pltpu.VMEM((2 * S,), jnp.float32),
            pltpu.SemaphoreType.DMA,
        ],
    )
    x0, x1, y0, y1, z0, z1, t0, t1 = sc(eti, ex, ey, ez, et)

    slocT = station_loc_w.T
    spad = jnp.zeros((1, 128), jnp.float32)
    slx = spad.at[0, :100].set(slocT[0])
    sly = spad.at[0, :100].set(slocT[1])
    slz = spad.at[0, :100].set(slocT[2])

    r = lambda a: a.reshape(128, 128)
    pred2, loss = pl.pallas_call(
        _tc_body,
        out_shape=(
            jax.ShapeDtypeStruct((128, 128), jnp.float32),
            jax.ShapeDtypeStruct((1, 1), jnp.float32),
        ),
        out_specs=(
            pl.BlockSpec(memory_space=pltpu.VMEM),
            pl.BlockSpec(memory_space=pltpu.SMEM),
        ),
    )(station_index.astype(jnp.int32).reshape(128, 128), slx, sly, slz,
      r(x0), r(y0), r(z0), r(x1), r(y1), r(z1), r(t0), r(t1),
      phase_type.astype(jnp.int32).reshape(128, 128),
      phase_time.reshape(128, 128), phase_weight.reshape(128, 128))
    return pred2.reshape(N), loss[0, 0]

# --- scband reference (transcript-rebuilt; emitter-appended) ---
"""Pipeline reference for scband-travel-time-dd-2748779069614 (READ-ONLY COPY).

The authoritative reference and input builder live on the scoring server;
editing this copy changes nothing except your own understanding.
"""

import jax, jax.numpy as jnp
import numpy as np

N = 16384
NUM_EVENT = 1000000
NUM_STATION = 100
VP = 6.0
VS = 6.0 / 1.73


def setup_inputs(seed: int = 0) -> dict:
    key = jax.random.key(seed)
    ks = jax.random.split(key, 8)
    station_index = jax.random.randint(ks[0], (N,), 0, NUM_STATION)
    event_index = jax.random.randint(ks[1], (N, 2), 0, NUM_EVENT)
    phase_type = jax.random.randint(ks[2], (N,), 0, 2)
    phase_time = jax.random.normal(ks[3], (N,), dtype=jnp.float32)
    phase_weight = jax.random.uniform(ks[4], (N,), dtype=jnp.float32)
    event_loc_w = jax.random.normal(ks[5], (NUM_EVENT, 3), dtype=jnp.float32) * 10.0
    event_time_w = jax.random.normal(ks[6], (NUM_EVENT, 1), dtype=jnp.float32)
    station_loc_w = jax.random.normal(ks[7], (NUM_STATION, 3), dtype=jnp.float32) * 10.0
    station_dt_w = jnp.zeros((NUM_STATION, 1), dtype=jnp.float32)
    return {
        "station_index": station_index,
        "event_index": event_index,
        "phase_type": phase_type,
        "phase_time": phase_time,
        "phase_weight": phase_weight,
        "event_loc_w": event_loc_w,
        "event_time_w": event_time_w,
        "station_loc_w": station_loc_w,
        "station_dt_w": station_dt_w,
    }


def _huber(pred, target):
    err = pred - target
    abs_e = jnp.abs(err)
    return jnp.where(abs_e < 1.0, 0.5 * err * err, abs_e - 0.5)


def reference(station_index, event_index, phase_type, phase_time, phase_weight,
              event_loc_w, event_time_w, station_loc_w, station_dt_w):
    # embedding gathers (SparseCore-friendly)
    station_loc = jnp.take(station_loc_w, station_index, axis=0)[:, None, :]   # [N,1,3]
    station_dt = jnp.take(station_dt_w, station_index, axis=0)[:, None, :]     # [N,1,1]
    event_loc = jnp.take(event_loc_w, event_index, axis=0)                     # [N,2,3]
    event_time = jnp.take(event_time_w, event_index, axis=0)                   # [N,2,1]
    # calc_time (eikonal=None branch): straight-line distance / velocity
    dist = jnp.linalg.norm(event_loc - station_loc, axis=-1, keepdims=True)    # [N,2,1]
    vel = jnp.where(phase_type == 0, VP, VS).astype(jnp.float32)[:, None, None]
    tt = dist / vel
    t = event_time + tt + station_dt                                           # [N,2,1]
    t = (t[:, 0] - t[:, 1])[:, 0]                                              # [N]
    pred_time = t
    # per-type masked huber loss sums to the same total over all picks
    loss = jnp.sum(_huber(t, phase_time) * phase_weight)
    return pred_time, loss

if __name__ == "__main__":
    import jax
    _d = setup_inputs()
    print(jax.jit(kernel)(*tuple(_d.values())))

</pallas_src>

<mosaic_0001>
#map = affine_map<(d0, d1) -> (0, 0)>
#map1 = affine_map<(d0, d1) -> (0)>
module attributes {stable_mosaic.version = 14 : i64} {
  func.func @_sc_body(%arg0: i32, %arg1: i32, %arg2: memref<32x1024xi32, #tpu.memory_space<hbm>>, %arg3: memref<1000000xf32, #tpu.memory_space<hbm>>, %arg4: memref<1000000xf32, #tpu.memory_space<hbm>>, %arg5: memref<1000000xf32, #tpu.memory_space<hbm>>, %arg6: memref<1000000xf32, #tpu.memory_space<hbm>>, %arg7: memref<16384xf32, #tpu.memory_space<hbm>>, %arg8: memref<16384xf32, #tpu.memory_space<hbm>>, %arg9: memref<16384xf32, #tpu.memory_space<hbm>>, %arg10: memref<16384xf32, #tpu.memory_space<hbm>>, %arg11: memref<16384xf32, #tpu.memory_space<hbm>>, %arg12: memref<16384xf32, #tpu.memory_space<hbm>>, %arg13: memref<16384xf32, #tpu.memory_space<hbm>>, %arg14: memref<16384xf32, #tpu.memory_space<hbm>>, %arg15: memref<1024xi32, #tpu.memory_space<vmem>>, %arg16: memref<3072xf32, #tpu.memory_space<vmem>>, %arg17: memref<1024xf32, #tpu.memory_space<vmem>>, %arg18: memref<!tpu.dma_semaphore, #tpu.memory_space<semaphore_mem>>) attributes {dimension_semantics = [#tpu.dimension_semantics<core_parallel>, #tpu.dimension_semantics<subcore_parallel>], iteration_bounds = array<i64: 2, 16>, scalar_prefetch = 0 : i64, scratch_operands = 4 : i64, tpu.core_type = #tpu.core_type<sc_vector_subcore>, window_params = [{transform_indices = #map}, {transform_indices = #map1}, {transform_indices = #map1}, {transform_indices = #map1}, {transform_indices = #map1}, {transform_indices = #map1}, {transform_indices = #map1}, {transform_indices = #map1}, {transform_indices = #map1}, {transform_indices = #map1}, {transform_indices = #map1}, {transform_indices = #map1}, {transform_indices = #map1}]} {
    %mul3A = arith.constant 2 : i32
    %mul3A_0 = arith.muli %arg1, %mul3A : i32
    %add3A = arith.addi %mul3A_0, %arg0 : i32
    "tpu.region"() ({
      %run_scoped3A = tpu.sem_alloc : memref<!tpu.dma_semaphore, #tpu.memory_space<semaphore_mem>>
      %dma_start3A_207 = arith.constant 0 : i32
      %dma_start3A_208 = tpu.memref_slice %arg2[%add3A, %dma_start3A_207] : memref<32x1024xi32, #tpu.memory_space<hbm>> -> memref<1x1024xi32, #tpu.memory_space<hbm>>
      %dma_start3A_209 = tpu.memref_squeeze %dma_start3A_208 : memref<1x1024xi32, #tpu.memory_space<hbm>> -> memref<1024xi32, #tpu.memory_space<hbm>>
      %dma_start3A_210 = arith.constant 0 : i32
      %dma_start3A_211 = tpu.memref_slice %arg2[%add3A, %dma_start3A_210] : memref<32x1024xi32, #tpu.memory_space<hbm>> -> memref<1x1024xi32, #tpu.memory_space<hbm>>
      %dma_start3A_212 = tpu.memref_squeeze %dma_start3A_211 : memref<1x1024xi32, #tpu.memory_space<hbm>> -> memref<1024xi32, #tpu.memory_space<hbm>>
      tpu.enqueue_dma source(%dma_start3A_212 : memref<1024xi32, #tpu.memory_space<hbm>>) target(%arg15 : memref<1024xi32, #tpu.memory_space<vmem>>) target_semaphore(%run_scoped3A : memref<!tpu.dma_semaphore, #tpu.memory_space<semaphore_mem>>)
      %dma_wait3A_213 = arith.constant 0 : i32
      %dma_wait3A_214 = tpu.memref_slice %arg2[%add3A, %dma_wait3A_213] : memref<32x1024xi32, #tpu.memory_space<hbm>> -> memref<1x1024xi32, #tpu.memory_space<hbm>>
      %dma_wait3A_215 = tpu.memref_squeeze %dma_wait3A_214 : memref<1x1024xi32, #tpu.memory_space<hbm>> -> memref<1024xi32, #tpu.memory_space<hbm>>
      %dma_wait3A_216 = arith.constant 0 : i32
      %dma_wait3A_217 = tpu.memref_slice %arg2[%add3A, %dma_wait3A_216] : memref<32x1024xi32, #tpu.memory_space<hbm>> -> memref<1x1024xi32, #tpu.memory_space<hbm>>
      %dma_wait3A_218 = tpu.memref_squeeze %dma_wait3A_217 : memref<1x1024xi32, #tpu.memory_space<hbm>> -> memref<1024xi32, #tpu.memory_space<hbm>>
      tpu.wait_dma2 semaphore(%run_scoped3A : memref<!tpu.dma_semaphore, #tpu.memory_space<semaphore_mem>>) src(%dma_wait3A_218 : memref<1024xi32, #tpu.memory_space<hbm>>) dst(%arg15 : memref<1024xi32, #tpu.memory_space<vmem>>)
      tpu.yield
    }) : () -> ()
    %dma_start3A = arith.constant 0 : i32
    %dma_start3A_1 = tpu.memref_slice %arg16[%dma_start3A] : memref<3072xf32, #tpu.memory_space<vmem>> -> memref<256xf32, #tpu.memory_space<vmem>>
    %dma_start3A_2 = arith.constant 0 : i32
    %dma_start3A_3 = tpu.memref_slice %arg15[%dma_start3A_2] : memref<1024xi32, #tpu.memory_space<vmem>> -> memref<256xi32, #tpu.memory_space<vmem>>
    %dma_start3A_4 = arith.constant 0 : i32
    %dma_start3A_5 = tpu.memref_slice %arg3[%dma_start3A_4] : memref<1000000xf32, #tpu.memory_space<hbm>> -> memref<1000000xf32, #tpu.memory_space<hbm>>
    tpu.enqueue_indirect_dma source(%dma_start3A_5 : memref<1000000xf32, #tpu.memory_space<hbm>>) target(%dma_start3A_1 : memref<256xf32, #tpu.memory_space<vmem>>) offsets(%dma_start3A_3 : memref<256xi32, #tpu.memory_space<vmem>>) semaphore(%arg18 : memref<!tpu.dma_semaphore, #tpu.memory_space<semaphore_mem>>)
    %dma_start3A_6 = arith.constant 256 : i32
    %dma_start3A_7 = tpu.memref_slice %arg16[%dma_start3A_6] : memref<3072xf32, #tpu.memory_space<vmem>> -> memref<256xf32, #tpu.memory_space<vmem>>
    %dma_start3A_8 = arith.constant 256 : i32
    %dma_start3A_9 = tpu.memref_slice %arg15[%dma_start3A_8] : memref<1024xi32, #tpu.memory_space<vmem>> -> memref<256xi32, #tpu.memory_space<vmem>>
    %dma_start3A_10 = arith.constant 0 : i32
    %dma_start3A_11 = tpu.memref_slice %arg3[%dma_start3A_10] : memref<1000000xf32, #tpu.memory_space<hbm>> -> memref<1000000xf32, #tpu.memory_space<hbm>>
    tpu.enqueue_indirect_dma source(%dma_start3A_11 : memref<1000000xf32, #tpu.memory_space<hbm>>) target(%dma_start3A_7 : memref<256xf32, #tpu.memory_space<vmem>>) offsets(%dma_start3A_9 : memref<256xi32, #tpu.memory_space<vmem>>) semaphore(%arg18 : memref<!tpu.dma_semaphore, #tpu.memory_space<semaphore_mem>>)
    %dma_start3A_12 = arith.constant 512 : i32
    %dma_start3A_13 = tpu.memref_slice %arg16[%dma_start3A_12] : memref<3072xf32, #tpu.memory_space<vmem>> -> memref<256xf32, #tpu.memory_space<vmem>>
    %dma_start3A_14 = arith.constant 512 : i32
    %dma_start3A_15 = tpu.memref_slice %arg15[%dma_start3A_14] : memref<1024xi32, #tpu.memory_space<vmem>> -> memref<256xi32, #tpu.memory_space<vmem>>
    %dma_start3A_16 = arith.constant 0 : i32
    %dma_start3A_17 = tpu.memref_slice %arg3[%dma_start3A_16] : memref<1000000xf32, #tpu.memory_space<hbm>> -> memref<1000000xf32, #tpu.memory_space<hbm>>
    tpu.enqueue_indirect_dma source(%dma_start3A_17 : memref<1000000xf32, #tpu.memory_space<hbm>>) target(%dma_start3A_13 : memref<256xf32, #tpu.memory_space<vmem>>) offsets(%dma_start3A_15 : memref<256xi32, #tpu.memory_space<vmem>>) semaphore(%arg18 : memref<!tpu.dma_semaphore, #tpu.memory_space<semaphore_mem>>)
    %dma_start3A_18 = arith.constant 768 : i32
    %dma_start3A_19 = tpu.memref_slice %arg16[%dma_start3A_18] : memref<3072xf32, #tpu.memory_space<vmem>> -> memref<256xf32, #tpu.memory_space<vmem>>
    %dma_start3A_20 = arith.constant 768 : i32
    %dma_start3A_21 = tpu.memref_slice %arg15[%dma_start3A_20] : memref<1024xi32, #tpu.memory_space<vmem>> -> memref<256xi32, #tpu.memory_space<vmem>>
    %dma_start3A_22 = arith.constant 0 : i32
    %dma_start3A_23 = tpu.memref_slice %arg3[%dma_start3A_22] : memref<1000000xf32, #tpu.memory_space<hbm>> -> memref<1000000xf32, #tpu.memory_space<hbm>>
    tpu.enqueue_indirect_dma source(%dma_start3A_23 : memref<1000000xf32, #tpu.memory_space<hbm>>) target(%dma_start3A_19 : memref<256xf32, #tpu.memory_space<vmem>>) offsets(%dma_start3A_21 : memref<256xi32, #tpu.memory_space<vmem>>) semaphore(%arg18 : memref<!tpu.dma_semaphore, #tpu.memory_space<semaphore_mem>>)
    %dma_start3A_24 = arith.constant 1024 : i32
    %dma_start3A_25 = tpu.memref_slice %arg16[%dma_start3A_24] : memref<3072xf32, #tpu.memory_space<vmem>> -> memref<256xf32, #tpu.memory_space<vmem>>
    %dma_start3A_26 = arith.constant 0 : i32
    %dma_start3A_27 = tpu.memref_slice %arg15[%dma_start3A_26] : memref<1024xi32, #tpu.memory_space<vmem>> -> memref<256xi32, #tpu.memory_space<vmem>>
    %dma_start3A_28 = arith.constant 0 : i32
    %dma_start3A_29 = tpu.memref_slice %arg4[%dma_start3A_28] : memref<1000000xf32, #tpu.memory_space<hbm>> -> memref<1000000xf32, #tpu.memory_space<hbm>>
    tpu.enqueue_indirect_dma source(%dma_start3A_29 : memref<1000000xf32, #tpu.memory_space<hbm>>) target(%dma_start3A_25 : memref<256xf32, #tpu.memory_space<vmem>>) offsets(%dma_start3A_27 : memref<256xi32, #tpu.memory_space<vmem>>) semaphore(%arg18 : memref<!tpu.dma_semaphore, #tpu.memory_space<semaphore_mem>>)
    %dma_start3A_30 = arith.constant 1280 : i32
    %dma_start3A_31 = tpu.memref_slice %arg16[%dma_start3A_30] : memref<3072xf32, #tpu.memory_space<vmem>> -> memref<256xf32, #tpu.memory_space<vmem>>
    %dma_start3A_32 = arith.constant 256 : i32
    %dma_start3A_33 = tpu.memref_slice %arg15[%dma_start3A_32] : memref<1024xi32, #tpu.memory_space<vmem>> -> memref<256xi32, #tpu.memory_space<vmem>>
    %dma_start3A_34 = arith.constant 0 : i32
    %dma_start3A_35 = tpu.memref_slice %arg4[%dma_start3A_34] : memref<1000000xf32, #tpu.memory_space<hbm>> -> memref<1000000xf32, #tpu.memory_space<hbm>>
    tpu.enqueue_indirect_dma source(%dma_start3A_35 : memref<1000000xf32, #tpu.memory_space<hbm>>) target(%dma_start3A_31 : memref<256xf32, #tpu.memory_space<vmem>>) offsets(%dma_start3A_33 : memref<256xi32, #tpu.memory_space<vmem>>) semaphore(%arg18 : memref<!tpu.dma_semaphore, #tpu.memory_space<semaphore_mem>>)
    %dma_start3A_36 = arith.constant 1536 : i32
    %dma_start3A_37 = tpu.memref_slice %arg16[%dma_start3A_36] : memref<3072xf32, #tpu.memory_space<vmem>> -> memref<256xf32, #tpu.memory_space<vmem>>
    %dma_start3A_38 = arith.constant 512 : i32
    %dma_start3A_39 = tpu.memref_slice %arg15[%dma_start3A_38] : memref<1024xi32, #tpu.memory_space<vmem>> -> memref<256xi32, #tpu.memory_space<vmem>>
    %dma_start3A_40 = arith.constant 0 : i32
    %dma_start3A_41 = tpu.memref_slice %arg4[%dma_start3A_40] : memref<1000000xf32, #tpu.memory_space<hbm>> -> memref<1000000xf32, #tpu.memory_space<hbm>>
    tpu.enqueue_indirect_dma source(%dma_start3A_41 : memref<1000000xf32, #tpu.memory_space<hbm>>) target(%dma_start3A_37 : memref<256xf32, #tpu.memory_space<vmem>>) offsets(%dma_start3A_39 : memref<256xi32, #tpu.memory_space<vmem>>) semaphore(%arg18 : memref<!tpu.dma_semaphore, #tpu.memory_space<semaphore_mem>>)
    %dma_start3A_42 = arith.constant 1792 : i32
    %dma_start3A_43 = tpu.memref_slice %arg16[%dma_start3A_42] : memref<3072xf32, #tpu.memory_space<vmem>> -> memref<256xf32, #tpu.memory_space<vmem>>
    %dma_start3A_44 = arith.constant 768 : i32
    %dma_start3A_45 = tpu.memref_slice %arg15[%dma_start3A_44] : memref<1024xi32, #tpu.memory_space<vmem>> -> memref<256xi32, #tpu.memory_space<vmem>>
    %dma_start3A_46 = arith.constant 0 : i32
    %dma_start3A_47 = tpu.memref_slice %arg4[%dma_start3A_46] : memref<1000000xf32, #tpu.memory_space<hbm>> -> memref<1000000xf32, #tpu.memory_space<hbm>>
    tpu.enqueue_indirect_dma source(%dma_start3A_47 : memref<1000000xf32, #tpu.memory_space<hbm>>) target(%dma_start3A_43 : memref<256xf32, #tpu.memory_space<vmem>>) offsets(%dma_start3A_45 : memref<256xi32, #tpu.memory_space<vmem>>) semaphore(%arg18 : memref<!tpu.dma_semaphore, #tpu.memory_space<semaphore_mem>>)
    %dma_start3A_48 = arith.constant 2048 : i32
    %dma_start3A_49 = tpu.memref_slice %arg16[%dma_start3A_48] : memref<3072xf32, #tpu.memory_space<vmem>> -> memref<256xf32, #tpu.memory_space<vmem>>
    %dma_start3A_50 = arith.constant 0 : i32
    %dma_start3A_51 = tpu.memref_slice %arg15[%dma_start3A_50] : memref<1024xi32, #tpu.memory_space<vmem>> -> memref<256xi32, #tpu.memory_space<vmem>>
    %dma_start3A_52 = arith.constant 0 : i32
    %dma_start3A_53 = tpu.memref_slice %arg5[%dma_start3A_52] : memref<1000000xf32, #tpu.memory_space<hbm>> -> memref<1000000xf32, #tpu.memory_space<hbm>>
    tpu.enqueue_indirect_dma source(%dma_start3A_53 : memref<1000000xf32, #tpu.memory_space<hbm>>) target(%dma_start3A_49 : memref<256xf32, #tpu.memory_space<vmem>>) offsets(%dma_start3A_51 : memref<256xi32, #tpu.memory_space<vmem>>) semaphore(%arg18 : memref<!tpu.dma_semaphore, #tpu.memory_space<semaphore_mem>>)
    %dma_start3A_54 = arith.constant 2304 : i32
    %dma_start3A_55 = tpu.memref_slice %arg16[%dma_start3A_54] : memref<3072xf32, #tpu.memory_space<vmem>> -> memref<256xf32, #tpu.memory_space<vmem>>
    %dma_start3A_56 = arith.constant 256 : i32
    %dma_start3A_57 = tpu.memref_slice %arg15[%dma_start3A_56] : memref<1024xi32, #tpu.memory_space<vmem>> -> memref<256xi32, #tpu.memory_space<vmem>>
    %dma_start3A_58 = arith.constant 0 : i32
    %dma_start3A_59 = tpu.memref_slice %arg5[%dma_start3A_58] : memref<1000000xf32, #tpu.memory_space<hbm>> -> memref<1000000xf32, #tpu.memory_space<hbm>>
    tpu.enqueue_indirect_dma source(%dma_start3A_59 : memref<1000000xf32, #tpu.memory_space<hbm>>) target(%dma_start3A_55 : memref<256xf32, #tpu.memory_space<vmem>>) offsets(%dma_start3A_57 : memref<256xi32, #tpu.memory_space<vmem>>) semaphore(%arg18 : memref<!tpu.dma_semaphore, #tpu.memory_space<semaphore_mem>>)
    %dma_start3A_60 = arith.constant 2560 : i32
    %dma_start3A_61 = tpu.memref_slice %arg16[%dma_start3A_60] : memref<3072xf32, #tpu.memory_space<vmem>> -> memref<256xf32, #tpu.memory_space<vmem>>
    %dma_start3A_62 = arith.constant 512 : i32
    %dma_start3A_63 = tpu.memref_slice %arg15[%dma_start3A_62] : memref<1024xi32, #tpu.memory_space<vmem>> -> memref<256xi32, #tpu.memory_space<vmem>>
    %dma_start3A_64 = arith.constant 0 : i32
    %dma_start3A_65 = tpu.memref_slice %arg5[%dma_start3A_64] : memref<1000000xf32, #tpu.memory_space<hbm>> -> memref<1000000xf32, #tpu.memory_space<hbm>>
    tpu.enqueue_indirect_dma source(%dma_start3A_65 : memref<1000000xf32, #tpu.memory_space<hbm>>) target(%dma_start3A_61 : memref<256xf32, #tpu.memory_space<vmem>>) offsets(%dma_start3A_63 : memref<256xi32, #tpu.memory_space<vmem>>) semaphore(%arg18 : memref<!tpu.dma_semaphore, #tpu.memory_space<semaphore_mem>>)
    %dma_start3A_66 = arith.constant 2816 : i32
    %dma_start3A_67 = tpu.memref_slice %arg16[%dma_start3A_66] : memref<3072xf32, #tpu.memory_space<vmem>> -> memref<256xf32, #tpu.memory_space<vmem>>
    %dma_start3A_68 = arith.constant 768 : i32
    %dma_start3A_69 = tpu.memref_slice %arg15[%dma_start3A_68] : memref<1024xi32, #tpu.memory_space<vmem>> -> memref<256xi32, #tpu.memory_space<vmem>>
    %dma_start3A_70 = arith.constant 0 : i32
    %dma_start3A_71 = tpu.memref_slice %arg5[%dma_start3A_70] : memref<1000000xf32, #tpu.memory_space<hbm>> -> memref<1000000xf32, #tpu.memory_space<hbm>>
    tpu.enqueue_indirect_dma source(%dma_start3A_71 : memref<1000000xf32, #tpu.memory_space<hbm>>) target(%dma_start3A_67 : memref<256xf32, #tpu.memory_space<vmem>>) offsets(%dma_start3A_69 : memref<256xi32, #tpu.memory_space<vmem>>) semaphore(%arg18 : memref<!tpu.dma_semaphore, #tpu.memory_space<semaphore_mem>>)
    %dma_start3A_72 = arith.constant 0 : i32
    %dma_start3A_73 = tpu.memref_slice %arg17[%dma_start3A_72] : memref<1024xf32, #tpu.memory_space<vmem>> -> memref<256xf32, #tpu.memory_space<vmem>>
    %dma_start3A_74 = arith.constant 0 : i32
    %dma_start3A_75 = tpu.memref_slice %arg15[%dma_start3A_74] : memref<1024xi32, #tpu.memory_space<vmem>> -> memref<256xi32, #tpu.memory_space<vmem>>
    %dma_start3A_76 = arith.constant 0 : i32
    %dma_start3A_77 = tpu.memref_slice %arg6[%dma_start3A_76] : memref<1000000xf32, #tpu.memory_space<hbm>> -> memref<1000000xf32, #tpu.memory_space<hbm>>
    tpu.enqueue_indirect_dma source(%dma_start3A_77 : memref<1000000xf32, #tpu.memory_space<hbm>>) target(%dma_start3A_73 : memref<256xf32, #tpu.memory_space<vmem>>) offsets(%dma_start3A_75 : memref<256xi32, #tpu.memory_space<vmem>>) semaphore(%arg18 : memref<!tpu.dma_semaphore, #tpu.memory_space<semaphore_mem>>)
    %dma_start3A_78 = arith.constant 256 : i32
    %dma_start3A_79 = tpu.memref_slice %arg17[%dma_start3A_78] : memref<1024xf32, #tpu.memory_space<vmem>> -> memref<256xf32, #tpu.memory_space<vmem>>
    %dma_start3A_80 = arith.constant 256 : i32
    %dma_start3A_81 = tpu.memref_slice %arg15[%dma_start3A_80] : memref<1024xi32, #tpu.memory_space<vmem>> -> memref<256xi32, #tpu.memory_space<vmem>>
    %dma_start3A_82 = arith.constant 0 : i32
    %dma_start3A_83 = tpu.memref_slice %arg6[%dma_start3A_82] : memref<1000000xf32, #tpu.memory_space<hbm>> -> memref<1000000xf32, #tpu.memory_space<hbm>>
    tpu.enqueue_indirect_dma source(%dma_start3A_83 : memref<1000000xf32, #tpu.memory_space<hbm>>) target(%dma_start3A_79 : memref<256xf32, #tpu.memory_space<vmem>>) offsets(%dma_start3A_81 : memref<256xi32, #tpu.memory_space<vmem>>) semaphore(%arg18 : memref<!tpu.dma_semaphore, #tpu.memory_space<semaphore_mem>>)
    %dma_start3A_84 = arith.constant 512 : i32
    %dma_start3A_85 = tpu.memref_slice %arg17[%dma_start3A_84] : memref<1024xf32, #tpu.memory_space<vmem>> -> memref<256xf32, #tpu.memory_space<vmem>>
    %dma_start3A_86 = arith.constant 512 : i32
    %dma_start3A_87 = tpu.memref_slice %arg15[%dma_start3A_86] : memref<1024xi32, #tpu.memory_space<vmem>> -> memref<256xi32, #tpu.memory_space<vmem>>
    %dma_start3A_88 = arith.constant 0 : i32
    %dma_start3A_89 = tpu.memref_slice %arg6[%dma_start3A_88] : memref<1000000xf32, #tpu.memory_space<hbm>> -> memref<1000000xf32, #tpu.memory_space<hbm>>
    tpu.enqueue_indirect_dma source(%dma_start3A_89 : memref<1000000xf32, #tpu.memory_space<hbm>>) target(%dma_start3A_85 : memref<256xf32, #tpu.memory_space<vmem>>) offsets(%dma_start3A_87 : memref<256xi32, #tpu.memory_space<vmem>>) semaphore(%arg18 : memref<!tpu.dma_semaphore, #tpu.memory_space<semaphore_mem>>)
    %dma_start3A_90 = arith.constant 768 : i32
    %dma_start3A_91 = tpu.memref_slice %arg17[%dma_start3A_90] : memref<1024xf32, #tpu.memory_space<vmem>> -> memref<256xf32, #tpu.memory_space<vmem>>
    %dma_start3A_92 = arith.constant 768 : i32
    %dma_start3A_93 = tpu.memref_slice %arg15[%dma_start3A_92] : memref<1024xi32, #tpu.memory_space<vmem>> -> memref<256xi32, #tpu.memory_space<vmem>>
    %dma_start3A_94 = arith.constant 0 : i32
    %dma_start3A_95 = tpu.memref_slice %arg6[%dma_start3A_94] : memref<1000000xf32, #tpu.memory_space<hbm>> -> memref<1000000xf32, #tpu.memory_space<hbm>>
    tpu.enqueue_indirect_dma source(%dma_start3A_95 : memref<1000000xf32, #tpu.memory_space<hbm>>) target(%dma_start3A_91 : memref<256xf32, #tpu.memory_space<vmem>>) offsets(%dma_start3A_93 : memref<256xi32, #tpu.memory_space<vmem>>) semaphore(%arg18 : memref<!tpu.dma_semaphore, #tpu.memory_space<semaphore_mem>>)
    %dma_wait3A = arith.constant 0 : i32
    %dma_wait3A_96 = tpu.memref_slice %arg16[%dma_wait3A] : memref<3072xf32, #tpu.memory_space<vmem>> -> memref<256xf32, #tpu.memory_space<vmem>>
    %dma_wait3A_97 = arith.constant 0 : i32
    %dma_wait3A_98 = tpu.memref_slice %arg15[%dma_wait3A_97] : memref<1024xi32, #tpu.memory_space<vmem>> -> memref<256xi32, #tpu.memory_space<vmem>>
    %dma_wait3A_99 = arith.constant 0 : i32
    %dma_wait3A_100 = tpu.memref_slice %arg3[%dma_wait3A_99] : memref<1000000xf32, #tpu.memory_space<hbm>> -> memref<1000000xf32, #tpu.memory_space<hbm>>
    tpu.wait_indirect_dma semaphore(%arg18 : memref<!tpu.dma_semaphore, #tpu.memory_space<semaphore_mem>>) src(%dma_wait3A_100 : memref<1000000xf32, #tpu.memory_space<hbm>>) dst(%dma_wait3A_96 : memref<256xf32, #tpu.memory_space<vmem>>)
    %dma_wait3A_101 = arith.constant 256 : i32
    %dma_wait3A_102 = tpu.memref_slice %arg16[%dma_wait3A_101] : memref<3072xf32, #tpu.memory_space<vmem>> -> memref<256xf32, #tpu.memory_space<vmem>>
    %dma_wait3A_103 = arith.constant 256 : i32
    %dma_wait3A_104 = tpu.memref_slice %arg15[%dma_wait3A_103] : memref<1024xi32, #tpu.memory_space<vmem>> -> memref<256xi32, #tpu.memory_space<vmem>>
    %dma_wait3A_105 = arith.constant 0 : i32
    %dma_wait3A_106 = tpu.memref_slice %arg3[%dma_wait3A_105] : memref<1000000xf32, #tpu.memory_space<hbm>> -> memref<1000000xf32, #tpu.memory_space<hbm>>
    tpu.wait_indirect_dma semaphore(%arg18 : memref<!tpu.dma_semaphore, #tpu.memory_space<semaphore_mem>>) src(%dma_wait3A_106 : memref<1000000xf32, #tpu.memory_space<hbm>>) dst(%dma_wait3A_102 : memref<256xf32, #tpu.memory_space<vmem>>)
    %dma_wait3A_107 = arith.constant 512 : i32
    %dma_wait3A_108 = tpu.memref_slice %arg16[%dma_wait3A_107] : memref<3072xf32, #tpu.memory_space<vmem>> -> memref<256xf32, #tpu.memory_space<vmem>>
    %dma_wait3A_109 = arith.constant 512 : i32
    %dma_wait3A_110 = tpu.memref_slice %arg15[%dma_wait3A_109] : memref<1024xi32, #tpu.memory_space<vmem>> -> memref<256xi32, #tpu.memory_space<vmem>>
    %dma_wait3A_111 = arith.constant 0 : i32
    %dma_wait3A_112 = tpu.memref_slice %arg3[%dma_wait3A_111] : memref<1000000xf32, #tpu.memory_space<hbm>> -> memref<1000000xf32, #tpu.memory_space<hbm>>
    tpu.wait_indirect_dma semaphore(%arg18 : memref<!tpu.dma_semaphore, #tpu.memory_space<semaphore_mem>>) src(%dma_wait3A_112 : memref<1000000xf32, #tpu.memory_space<hbm>>) dst(%dma_wait3A_108 : memref<256xf32, #tpu.memory_space<vmem>>)
    %dma_wait3A_113 = arith.constant 768 : i32
    %dma_wait3A_114 = tpu.memref_slice %arg16[%dma_wait3A_113] : memref<3072xf32, #tpu.memory_space<vmem>> -> memref<256xf32, #tpu.memory_space<vmem>>
    %dma_wait3A_115 = arith.constant 768 : i32
    %dma_wait3A_116 = tpu.memref_slice %arg15[%dma_wait3A_115] : memref<1024xi32, #tpu.memory_space<vmem>> -> memref<256xi32, #tpu.memory_space<vmem>>
    %dma_wait3A_117 = arith.constant 0 : i32
    %dma_wait3A_118 = tpu.memref_slice %arg3[%dma_wait3A_117] : memref<1000000xf32, #tpu.memory_space<hbm>> -> memref<1000000xf32, #tpu.memory_space<hbm>>
    tpu.wait_indirect_dma semaphore(%arg18 : memref<!tpu.dma_semaphore, #tpu.memory_space<semaphore_mem>>) src(%dma_wait3A_118 : memref<1000000xf32, #tpu.memory_space<hbm>>) dst(%dma_wait3A_114 : memref<256xf32, #tpu.memory_space<vmem>>)
    %dma_wait3A_119 = arith.constant 1024 : i32
    %dma_wait3A_120 = tpu.memref_slice %arg16[%dma_wait3A_119] : memref<3072xf32, #tpu.memory_space<vmem>> -> memref<256xf32, #tpu.memory_space<vmem>>
    %dma_wait3A_121 = arith.constant 0 : i32
    %dma_wait3A_122 = tpu.memref_slice %arg15[%dma_wait3A_121] : memref<1024xi32, #tpu.memory_space<vmem>> -> memref<256xi32, #tpu.memory_space<vmem>>
    %dma_wait3A_123 = arith.constant 0 : i32
    %dma_wait3A_124 = tpu.memref_slice %arg4[%dma_wait3A_123] : memref<1000000xf32, #tpu.memory_space<hbm>> -> memref<1000000xf32, #tpu.memory_space<hbm>>
    tpu.wait_indirect_dma semaphore(%arg18 : memref<!tpu.dma_semaphore, #tpu.memory_space<semaphore_mem>>) src(%dma_wait3A_124 : memref<1000000xf32, #tpu.memory_space<hbm>>) dst(%dma_wait3A_120 : memref<256xf32, #tpu.memory_space<vmem>>)
    %dma_wait3A_125 = arith.constant 1280 : i32
    %dma_wait3A_126 = tpu.memref_slice %arg16[%dma_wait3A_125] : memref<3072xf32, #tpu.memory_space<vmem>> -> memref<256xf32, #tpu.memory_space<vmem>>
    %dma_wait3A_127 = arith.constant 256 : i32
    %dma_wait3A_128 = tpu.memref_slice %arg15[%dma_wait3A_127] : memref<1024xi32, #tpu.memory_space<vmem>> -> memref<256xi32, #tpu.memory_space<vmem>>
    %dma_wait3A_129 = arith.constant 0 : i32
    %dma_wait3A_130 = tpu.memref_slice %arg4[%dma_wait3A_129] : memref<1000000xf32, #tpu.memory_space<hbm>> -> memref<1000000xf32, #tpu.memory_space<hbm>>
    tpu.wait_indirect_dma semaphore(%arg18 : memref<!tpu.dma_semaphore, #tpu.memory_space<semaphore_mem>>) src(%dma_wait3A_130 : memref<1000000xf32, #tpu.memory_space<hbm>>) dst(%dma_wait3A_126 : memref<256xf32, #tpu.memory_space<vmem>>)
    %dma_wait3A_131 = arith.constant 1536 : i32
    %dma_wait3A_132 = tpu.memref_slice %arg16[%dma_wait3A_131] : memref<3072xf32, #tpu.memory_space<vmem>> -> memref<256xf32, #tpu.memory_space<vmem>>
    %dma_wait3A_133 = arith.constant 512 : i32
    %dma_wait3A_134 = tpu.memref_slice %arg15[%dma_wait3A_133] : memref<1024xi32, #tpu.memory_space<vmem>> -> memref<256xi32, #tpu.memory_space<vmem>>
    %dma_wait3A_135 = arith.constant 0 : i32
    %dma_wait3A_136 = tpu.memref_slice %arg4[%dma_wait3A_135] : memref<1000000xf32, #tpu.memory_space<hbm>> -> memref<1000000xf32, #tpu.memory_space<hbm>>
    tpu.wait_indirect_dma semaphore(%arg18 : memref<!tpu.dma_semaphore, #tpu.memory_space<semaphore_mem>>) src(%dma_wait3A_136 : memref<1000000xf32, #tpu.memory_space<hbm>>) dst(%dma_wait3A_132 : memref<256xf32, #tpu.memory_space<vmem>>)
    %dma_wait3A_137 = arith.constant 1792 : i32
    %dma_wait3A_138 = tpu.memref_slice %arg16[%dma_wait3A_137] : memref<3072xf32, #tpu.memory_space<vmem>> -> memref<256xf32, #tpu.memory_space<vmem>>
    %dma_wait3A_139 = arith.constant 768 : i32
    %dma_wait3A_140 = tpu.memref_slice %arg15[%dma_wait3A_139] : memref<1024xi32, #tpu.memory_space<vmem>> -> memref<256xi32, #tpu.memory_space<vmem>>
    %dma_wait3A_141 = arith.constant 0 : i32
    %dma_wait3A_142 = tpu.memref_slice %arg4[%dma_wait3A_141] : memref<1000000xf32, #tpu.memory_space<hbm>> -> memref<1000000xf32, #tpu.memory_space<hbm>>
    tpu.wait_indirect_dma semaphore(%arg18 : memref<!tpu.dma_semaphore, #tpu.memory_space<semaphore_mem>>) src(%dma_wait3A_142 : memref<1000000xf32, #tpu.memory_space<hbm>>) dst(%dma_wait3A_138 : memref<256xf32, #tpu.memory_space<vmem>>)
    %dma_wait3A_143 = arith.constant 2048 : i32
    %dma_wait3A_144 = tpu.memref_slice %arg16[%dma_wait3A_143] : memref<3072xf32, #tpu.memory_space<vmem>> -> memref<256xf32, #tpu.memory_space<vmem>>
    %dma_wait3A_145 = arith.constant 0 : i32
    %dma_wait3A_146 = tpu.memref_slice %arg15[%dma_wait3A_145] : memref<1024xi32, #tpu.memory_space<vmem>> -> memref<256xi32, #tpu.memory_space<vmem>>
    %dma_wait3A_147 = arith.constant 0 : i32
    %dma_wait3A_148 = tpu.memref_slice %arg5[%dma_wait3A_147] : memref<1000000xf32, #tpu.memory_space<hbm>> -> memref<1000000xf32, #tpu.memory_space<hbm>>
    tpu.wait_indirect_dma semaphore(%arg18 : memref<!tpu.dma_semaphore, #tpu.memory_space<semaphore_mem>>) src(%dma_wait3A_148 : memref<1000000xf32, #tpu.memory_space<hbm>>) dst(%dma_wait3A_144 : memref<256xf32, #tpu.memory_space<vmem>>)
    %dma_wait3A_149 = arith.constant 2304 : i32
    %dma_wait3A_150 = tpu.memref_slice %arg16[%dma_wait3A_149] : memref<3072xf32, #tpu.memory_space<vmem>> -> memref<256xf32, #tpu.memory_space<vmem>>
    %dma_wait3A_151 = arith.constant 256 : i32
    %dma_wait3A_152 = tpu.memref_slice %arg15[%dma_wait3A_151] : memref<1024xi32, #tpu.memory_space<vmem>> -> memref<256xi32, #tpu.memory_space<vmem>>
    %dma_wait3A_153 = arith.constant 0 : i32
    %dma_wait3A_154 = tpu.memref_slice %arg5[%dma_wait3A_153] : memref<1000000xf32, #tpu.memory_space<hbm>> -> memref<1000000xf32, #tpu.memory_space<hbm>>
    tpu.wait_indirect_dma semaphore(%arg18 : memref<!tpu.dma_semaphore, #tpu.memory_space<semaphore_mem>>) src(%dma_wait3A_154 : memref<1000000xf32, #tpu.memory_space<hbm>>) dst(%dma_wait3A_150 : memref<256xf32, #tpu.memory_space<vmem>>)
    %dma_wait3A_155 = arith.constant 2560 : i32
    %dma_wait3A_156 = tpu.memref_slice %arg16[%dma_wait3A_155] : memref<3072xf32, #tpu.memory_space<vmem>> -> memref<256xf32, #tpu.memory_space<vmem>>
    %dma_wait3A_157 = arith.constant 512 : i32
    %dma_wait3A_158 = tpu.memref_slice %arg15[%dma_wait3A_157] : memref<1024xi32, #tpu.memory_space<vmem>> -> memref<256xi32, #tpu.memory_space<vmem>>
    %dma_wait3A_159 = arith.constant 0 : i32
    %dma_wait3A_160 = tpu.memref_slice %arg5[%dma_wait3A_159] : memref<1000000xf32, #tpu.memory_space<hbm>> -> memref<1000000xf32, #tpu.memory_space<hbm>>
    tpu.wait_indirect_dma semaphore(%arg18 : memref<!tpu.dma_semaphore, #tpu.memory_space<semaphore_mem>>) src(%dma_wait3A_160 : memref<1000000xf32, #tpu.memory_space<hbm>>) dst(%dma_wait3A_156 : memref<256xf32, #tpu.memory_space<vmem>>)
    %dma_wait3A_161 = arith.constant 2816 : i32
    %dma_wait3A_162 = tpu.memref_slice %arg16[%dma_wait3A_161] : memref<3072xf32, #tpu.memory_space<vmem>> -> memref<256xf32, #tpu.memory_space<vmem>>
    %dma_wait3A_163 = arith.constant 768 : i32
    %dma_wait3A_164 = tpu.memref_slice %arg15[%dma_wait3A_163] : memref<1024xi32, #tpu.memory_space<vmem>> -> memref<256xi32, #tpu.memory_space<vmem>>
    %dma_wait3A_165 = arith.constant 0 : i32
    %dma_wait3A_166 = tpu.memref_slice %arg5[%dma_wait3A_165] : memref<1000000xf32, #tpu.memory_space<hbm>> -> memref<1000000xf32, #tpu.memory_space<hbm>>
    tpu.wait_indirect_dma semaphore(%arg18 : memref<!tpu.dma_semaphore, #tpu.memory_space<semaphore_mem>>) src(%dma_wait3A_166 : memref<1000000xf32, #tpu.memory_space<hbm>>) dst(%dma_wait3A_162 : memref<256xf32, #tpu.memory_space<vmem>>)
    %dma_wait3A_167 = arith.constant 0 : i32
    %dma_wait3A_168 = tpu.memref_slice %arg17[%dma_wait3A_167] : memref<1024xf32, #tpu.memory_space<vmem>> -> memref<256xf32, #tpu.memory_space<vmem>>
    %dma_wait3A_169 = arith.constant 0 : i32
    %dma_wait3A_170 = tpu.memref_slice %arg15[%dma_wait3A_169] : memref<1024xi32, #tpu.memory_space<vmem>> -> memref<256xi32, #tpu.memory_space<vmem>>
    %dma_wait3A_171 = arith.constant 0 : i32
    %dma_wait3A_172 = tpu.memref_slice %arg6[%dma_wait3A_171] : memref<1000000xf32, #tpu.memory_space<hbm>> -> memref<1000000xf32, #tpu.memory_space<hbm>>
    tpu.wait_indirect_dma semaphore(%arg18 : memref<!tpu.dma_semaphore, #tpu.memory_space<semaphore_mem>>) src(%dma_wait3A_172 : memref<1000000xf32, #tpu.memory_space<hbm>>) dst(%dma_wait3A_168 : memref<256xf32, #tpu.memory_space<vmem>>)
    %dma_wait3A_173 = arith.constant 256 : i32
    %dma_wait3A_174 = tpu.memref_slice %arg17[%dma_wait3A_173] : memref<1024xf32, #tpu.memory_space<vmem>> -> memref<256xf32, #tpu.memory_space<vmem>>
    %dma_wait3A_175 = arith.constant 256 : i32
    %dma_wait3A_176 = tpu.memref_slice %arg15[%dma_wait3A_175] : memref<1024xi32, #tpu.memory_space<vmem>> -> memref<256xi32, #tpu.memory_space<vmem>>
    %dma_wait3A_177 = arith.constant 0 : i32
    %dma_wait3A_178 = tpu.memref_slice %arg6[%dma_wait3A_177] : memref<1000000xf32, #tpu.memory_space<hbm>> -> memref<1000000xf32, #tpu.memory_space<hbm>>
    tpu.wait_indirect_dma semaphore(%arg18 : memref<!tpu.dma_semaphore, #tpu.memory_space<semaphore_mem>>) src(%dma_wait3A_178 : memref<1000000xf32, #tpu.memory_space<hbm>>) dst(%dma_wait3A_174 : memref<256xf32, #tpu.memory_space<vmem>>)
    %dma_wait3A_179 = arith.constant 512 : i32
    %dma_wait3A_180 = tpu.memref_slice %arg17[%dma_wait3A_179] : memref<1024xf32, #tpu.memory_space<vmem>> -> memref<256xf32, #tpu.memory_space<vmem>>
    %dma_wait3A_181 = arith.constant 512 : i32
    %dma_wait3A_182 = tpu.memref_slice %arg15[%dma_wait3A_181] : memref<1024xi32, #tpu.memory_space<vmem>> -> memref<256xi32, #tpu.memory_space<vmem>>
    %dma_wait3A_183 = arith.constant 0 : i32
    %dma_wait3A_184 = tpu.memref_slice %arg6[%dma_wait3A_183] : memref<1000000xf32, #tpu.memory_space<hbm>> -> memref<1000000xf32, #tpu.memory_space<hbm>>
    tpu.wait_indirect_dma semaphore(%arg18 : memref<!tpu.dma_semaphore, #tpu.memory_space<semaphore_mem>>) src(%dma_wait3A_184 : memref<1000000xf32, #tpu.memory_space<hbm>>) dst(%dma_wait3A_180 : memref<256xf32, #tpu.memory_space<vmem>>)
    %dma_wait3A_185 = arith.constant 768 : i32
    %dma_wait3A_186 = tpu.memref_slice %arg17[%dma_wait3A_185] : memref<1024xf32, #tpu.memory_space<vmem>> -> memref<256xf32, #tpu.memory_space<vmem>>
    %dma_wait3A_187 = arith.constant 768 : i32
    %dma_wait3A_188 = tpu.memref_slice %arg15[%dma_wait3A_187] : memref<1024xi32, #tpu.memory_space<vmem>> -> memref<256xi32, #tpu.memory_space<vmem>>
    %dma_wait3A_189 = arith.constant 0 : i32
    %dma_wait3A_190 = tpu.memref_slice %arg6[%dma_wait3A_189] : memref<1000000xf32, #tpu.memory_space<hbm>> -> memref<1000000xf32, #tpu.memory_space<hbm>>
    tpu.wait_indirect_dma semaphore(%arg18 : memref<!tpu.dma_semaphore, #tpu.memory_space<semaphore_mem>>) src(%dma_wait3A_190 : memref<1000000xf32, #tpu.memory_space<hbm>>) dst(%dma_wait3A_186 : memref<256xf32, #tpu.memory_space<vmem>>)
    %mul3A_191 = arith.constant 512 : i32
    %mul3A_192 = arith.muli %add3A, %mul3A_191 : i32
    "tpu.region"() ({
      %run_scoped3A = tpu.sem_alloc : memref<!tpu.dma_semaphore, #tpu.memory_space<semaphore_mem>>
      %dma_start3A_207 = arith.constant 0 : i32
      %dma_start3A_208 = tpu.memref_slice %arg16[%dma_start3A_207] : memref<3072xf32, #tpu.memory_space<vmem>> -> memref<512xf32, #tpu.memory_space<vmem>>
      %dma_start3A_209 = tpu.memref_slice %arg7[%mul3A_192] : memref<16384xf32, #tpu.memory_space<hbm>> -> memref<512xf32, #tpu.memory_space<hbm>>
      %dma_start3A_210 = tpu.memref_slice %arg7[%mul3A_192] : memref<16384xf32, #tpu.memory_space<hbm>> -> memref<512xf32, #tpu.memory_space<hbm>>
      %dma_start3A_211 = arith.constant 0 : i32
      %dma_start3A_212 = tpu.memref_slice %arg16[%dma_start3A_211] : memref<3072xf32, #tpu.memory_space<vmem>> -> memref<512xf32, #tpu.memory_space<vmem>>
      tpu.enqueue_dma source(%dma_start3A_212 : memref<512xf32, #tpu.memory_space<vmem>>) target(%dma_start3A_210 : memref<512xf32, #tpu.memory_space<hbm>>) target_semaphore(%run_scoped3A : memref<!tpu.dma_semaphore, #tpu.memory_space<semaphore_mem>>)
      %dma_wait3A_213 = arith.constant 0 : i32
      %dma_wait3A_214 = tpu.memref_slice %arg16[%dma_wait3A_213] : memref<3072xf32, #tpu.memory_space<vmem>> -> memref<512xf32, #tpu.memory_space<vmem>>
      %dma_wait3A_215 = tpu.memref_slice %arg7[%mul3A_192] : memref<16384xf32, #tpu.memory_space<hbm>> -> memref<512xf32, #tpu.memory_space<hbm>>
      %dma_wait3A_216 = tpu.memref_slice %arg7[%mul3A_192] : memref<16384xf32, #tpu.memory_space<hbm>> -> memref<512xf32, #tpu.memory_space<hbm>>
      %dma_wait3A_217 = arith.constant 0 : i32
      %dma_wait3A_218 = tpu.memref_slice %arg16[%dma_wait3A_217] : memref<3072xf32, #tpu.memory_space<vmem>> -> memref<512xf32, #tpu.memory_space<vmem>>
      tpu.wait_dma2 semaphore(%run_scoped3A : memref<!tpu.dma_semaphore, #tpu.memory_space<semaphore_mem>>) src(%dma_wait3A_218 : memref<512xf32, #tpu.memory_space<vmem>>) dst(%dma_wait3A_216 : memref<512xf32, #tpu.memory_space<hbm>>)
      tpu.yield
    }) : () -> ()
    %mul3A_193 = arith.constant 512 : i32
    %mul3A_194 = arith.muli %add3A, %mul3A_193 : i32
    "tpu.region"() ({
      %run_scoped3A = tpu.sem_alloc : memref<!tpu.dma_semaphore, #tpu.memory_space<semaphore_mem>>
      %dma_start3A_207 = arith.constant 512 : i32
      %dma_start3A_208 = tpu.memref_slice %arg16[%dma_start3A_207] : memref<3072xf32, #tpu.memory_space<vmem>> -> memref<512xf32, #tpu.memory_space<vmem>>
      %dma_start3A_209 = tpu.memref_slice %arg8[%mul3A_194] : memref<16384xf32, #tpu.memory_space<hbm>> -> memref<512xf32, #tpu.memory_space<hbm>>
      %dma_start3A_210 = tpu.memref_slice %arg8[%mul3A_194] : memref<16384xf32, #tpu.memory_space<hbm>> -> memref<512xf32, #tpu.memory_space<hbm>>
      %dma_start3A_211 = arith.constant 512 : i32
      %dma_start3A_212 = tpu.memref_slice %arg16[%dma_start3A_211] : memref<3072xf32, #tpu.memory_space<vmem>> -> memref<512xf32, #tpu.memory_space<vmem>>
      tpu.enqueue_dma source(%dma_start3A_212 : memref<512xf32, #tpu.memory_space<vmem>>) target(%dma_start3A_210 : memref<512xf32, #tpu.memory_space<hbm>>) target_semaphore(%run_scoped3A : memref<!tpu.dma_semaphore, #tpu.memory_space<semaphore_mem>>)
      %dma_wait3A_213 = arith.constant 512 : i32
      %dma_wait3A_214 = tpu.memref_slice %arg16[%dma_wait3A_213] : memref<3072xf32, #tpu.memory_space<vmem>> -> memref<512xf32, #tpu.memory_space<vmem>>
      %dma_wait3A_215 = tpu.memref_slice %arg8[%mul3A_194] : memref<16384xf32, #tpu.memory_space<hbm>> -> memref<512xf32, #tpu.memory_space<hbm>>
      %dma_wait3A_216 = tpu.memref_slice %arg8[%mul3A_194] : memref<16384xf32, #tpu.memory_space<hbm>> -> memref<512xf32, #tpu.memory_space<hbm>>
      %dma_wait3A_217 = arith.constant 512 : i32
      %dma_wait3A_218 = tpu.memref_slice %arg16[%dma_wait3A_217] : memref<3072xf32, #tpu.memory_space<vmem>> -> memref<512xf32, #tpu.memory_space<vmem>>
      tpu.wait_dma2 semaphore(%run_scoped3A : memref<!tpu.dma_semaphore, #tpu.memory_space<semaphore_mem>>) src(%dma_wait3A_218 : memref<512xf32, #tpu.memory_space<vmem>>) dst(%dma_wait3A_216 : memref<512xf32, #tpu.memory_space<hbm>>)
      tpu.yield
    }) : () -> ()
    %mul3A_195 = arith.constant 512 : i32
    %mul3A_196 = arith.muli %add3A, %mul3A_195 : i32
    "tpu.region"() ({
      %run_scoped3A = tpu.sem_alloc : memref<!tpu.dma_semaphore, #tpu.memory_space<semaphore_mem>>
      %dma_start3A_207 = arith.constant 1024 : i32
      %dma_start3A_208 = tpu.memref_slice %arg16[%dma_start3A_207] : memref<3072xf32, #tpu.memory_space<vmem>> -> memref<512xf32, #tpu.memory_space<vmem>>
      %dma_start3A_209 = tpu.memref_slice %arg9[%mul3A_196] : memref<16384xf32, #tpu.memory_space<hbm>> -> memref<512xf32, #tpu.memory_space<hbm>>
      %dma_start3A_210 = tpu.memref_slice %arg9[%mul3A_196] : memref<16384xf32, #tpu.memory_space<hbm>> -> memref<512xf32, #tpu.memory_space<hbm>>
      %dma_start3A_211 = arith.constant 1024 : i32
      %dma_start3A_212 = tpu.memref_slice %arg16[%dma_start3A_211] : memref<3072xf32, #tpu.memory_space<vmem>> -> memref<512xf32, #tpu.memory_space<vmem>>
      tpu.enqueue_dma source(%dma_start3A_212 : memref<512xf32, #tpu.memory_space<vmem>>) target(%dma_start3A_210 : memref<512xf32, #tpu.memory_space<hbm>>) target_semaphore(%run_scoped3A : memref<!tpu.dma_semaphore, #tpu.memory_space<semaphore_mem>>)
      %dma_wait3A_213 = arith.constant 1024 : i32
      %dma_wait3A_214 = tpu.memref_slice %arg16[%dma_wait3A_213] : memref<3072xf32, #tpu.memory_space<vmem>> -> memref<512xf32, #tpu.memory_space<vmem>>
      %dma_wait3A_215 = tpu.memref_slice %arg9[%mul3A_196] : memref<16384xf32, #tpu.memory_space<hbm>> -> memref<512xf32, #tpu.memory_space<hbm>>
      %dma_wait3A_216 = tpu.memref_slice %arg9[%mul3A_196] : memref<16384xf32, #tpu.memory_space<hbm>> -> memref<512xf32, #tpu.memory_space<hbm>>
      %dma_wait3A_217 = arith.constant 1024 : i32
      %dma_wait3A_218 = tpu.memref_slice %arg16[%dma_wait3A_217] : memref<3072xf32, #tpu.memory_space<vmem>> -> memref<512xf32, #tpu.memory_space<vmem>>
      tpu.wait_dma2 semaphore(%run_scoped3A : memref<!tpu.dma_semaphore, #tpu.memory_space<semaphore_mem>>) src(%dma_wait3A_218 : memref<512xf32, #tpu.memory_space<vmem>>) dst(%dma_wait3A_216 : memref<512xf32, #tpu.memory_space<hbm>>)
      tpu.yield
    }) : () -> ()
    %mul3A_197 = arith.constant 512 : i32
    %mul3A_198 = arith.muli %add3A, %mul3A_197 : i32
    "tpu.region"() ({
      %run_scoped3A = tpu.sem_alloc : memref<!tpu.dma_semaphore, #tpu.memory_space<semaphore_mem>>
      %dma_start3A_207 = arith.constant 1536 : i32
      %dma_start3A_208 = tpu.memref_slice %arg16[%dma_start3A_207] : memref<3072xf32, #tpu.memory_space<vmem>> -> memref<512xf32, #tpu.memory_space<vmem>>
      %dma_start3A_209 = tpu.memref_slice %arg10[%mul3A_198] : memref<16384xf32, #tpu.memory_space<hbm>> -> memref<512xf32, #tpu.memory_space<hbm>>
      %dma_start3A_210 = tpu.memref_slice %arg10[%mul3A_198] : memref<16384xf32, #tpu.memory_space<hbm>> -> memref<512xf32, #tpu.memory_space<hbm>>
      %dma_start3A_211 = arith.constant 1536 : i32
      %dma_start3A_212 = tpu.memref_slice %arg16[%dma_start3A_211] : memref<3072xf32, #tpu.memory_space<vmem>> -> memref<512xf32, #tpu.memory_space<vmem>>
      tpu.enqueue_dma source(%dma_start3A_212 : memref<512xf32, #tpu.memory_space<vmem>>) target(%dma_start3A_210 : memref<512xf32, #tpu.memory_space<hbm>>) target_semaphore(%run_scoped3A : memref<!tpu.dma_semaphore, #tpu.memory_space<semaphore_mem>>)
      %dma_wait3A_213 = arith.constant 1536 : i32
      %dma_wait3A_214 = tpu.memref_slice %arg16[%dma_wait3A_213] : memref<3072xf32, #tpu.memory_space<vmem>> -> memref<512xf32, #tpu.memory_space<vmem>>
      %dma_wait3A_215 = tpu.memref_slice %arg10[%mul3A_198] : memref<16384xf32, #tpu.memory_space<hbm>> -> memref<512xf32, #tpu.memory_space<hbm>>
      %dma_wait3A_216 = tpu.memref_slice %arg10[%mul3A_198] : memref<16384xf32, #tpu.memory_space<hbm>> -> memref<512xf32, #tpu.memory_space<hbm>>
      %dma_wait3A_217 = arith.constant 1536 : i32
      %dma_wait3A_218 = tpu.memref_slice %arg16[%dma_wait3A_217] : memref<3072xf32, #tpu.memory_space<vmem>> -> memref<512xf32, #tpu.memory_space<vmem>>
      tpu.wait_dma2 semaphore(%run_scoped3A : memref<!tpu.dma_semaphore, #tpu.memory_space<semaphore_mem>>) src(%dma_wait3A_218 : memref<512xf32, #tpu.memory_space<vmem>>) dst(%dma_wait3A_216 : memref<512xf32, #tpu.memory_space<hbm>>)
      tpu.yield
    }) : () -> ()
    %mul3A_199 = arith.constant 512 : i32
    %mul3A_200 = arith.muli %add3A, %mul3A_199 : i32
    "tpu.region"() ({
      %run_scoped3A = tpu.sem_alloc : memref<!tpu.dma_semaphore, #tpu.memory_space<semaphore_mem>>
      %dma_start3A_207 = arith.constant 2048 : i32
      %dma_start3A_208 = tpu.memref_slice %arg16[%dma_start3A_207] : memref<3072xf32, #tpu.memory_space<vmem>> -> memref<512xf32, #tpu.memory_space<vmem>>
      %dma_start3A_209 = tpu.memref_slice %arg11[%mul3A_200] : memref<16384xf32, #tpu.memory_space<hbm>> -> memref<512xf32, #tpu.memory_space<hbm>>
      %dma_start3A_210 = tpu.memref_slice %arg11[%mul3A_200] : memref<16384xf32, #tpu.memory_space<hbm>> -> memref<512xf32, #tpu.memory_space<hbm>>
      %dma_start3A_211 = arith.constant 2048 : i32
      %dma_start3A_212 = tpu.memref_slice %arg16[%dma_start3A_211] : memref<3072xf32, #tpu.memory_space<vmem>> -> memref<512xf32, #tpu.memory_space<vmem>>
      tpu.enqueue_dma source(%dma_start3A_212 : memref<512xf32, #tpu.memory_space<vmem>>) target(%dma_start3A_210 : memref<512xf32, #tpu.memory_space<hbm>>) target_semaphore(%run_scoped3A : memref<!tpu.dma_semaphore, #tpu.memory_space<semaphore_mem>>)
      %dma_wait3A_213 = arith.constant 2048 : i32
      %dma_wait3A_214 = tpu.memref_slice %arg16[%dma_wait3A_213] : memref<3072xf32, #tpu.memory_space<vmem>> -> memref<512xf32, #tpu.memory_space<vmem>>
      %dma_wait3A_215 = tpu.memref_slice %arg11[%mul3A_200] : memref<16384xf32, #tpu.memory_space<hbm>> -> memref<512xf32, #tpu.memory_space<hbm>>
      %dma_wait3A_216 = tpu.memref_slice %arg11[%mul3A_200] : memref<16384xf32, #tpu.memory_space<hbm>> -> memref<512xf32, #tpu.memory_space<hbm>>
      %dma_wait3A_217 = arith.constant 2048 : i32
      %dma_wait3A_218 = tpu.memref_slice %arg16[%dma_wait3A_217] : memref<3072xf32, #tpu.memory_space<vmem>> -> memref<512xf32, #tpu.memory_space<vmem>>
      tpu.wait_dma2 semaphore(%run_scoped3A : memref<!tpu.dma_semaphore, #tpu.memory_space<semaphore_mem>>) src(%dma_wait3A_218 : memref<512xf32, #tpu.memory_space<vmem>>) dst(%dma_wait3A_216 : memref<512xf32, #tpu.memory_space<hbm>>)
      tpu.yield
    }) : () -> ()
    %mul3A_201 = arith.constant 512 : i32
    %mul3A_202 = arith.muli %add3A, %mul3A_201 : i32
    "tpu.region"() ({
      %run_scoped3A = tpu.sem_alloc : memref<!tpu.dma_semaphore, #tpu.memory_space<semaphore_mem>>
      %dma_start3A_207 = arith.constant 2560 : i32
      %dma_start3A_208 = tpu.memref_slice %arg16[%dma_start3A_207] : memref<3072xf32, #tpu.memory_space<vmem>> -> memref<512xf32, #tpu.memory_space<vmem>>
      %dma_start3A_209 = tpu.memref_slice %arg12[%mul3A_202] : memref<16384xf32, #tpu.memory_space<hbm>> -> memref<512xf32, #tpu.memory_space<hbm>>
      %dma_start3A_210 = tpu.memref_slice %arg12[%mul3A_202] : memref<16384xf32, #tpu.memory_space<hbm>> -> memref<512xf32, #tpu.memory_space<hbm>>
      %dma_start3A_211 = arith.constant 2560 : i32
      %dma_start3A_212 = tpu.memref_slice %arg16[%dma_start3A_211] : memref<3072xf32, #tpu.memory_space<vmem>> -> memref<512xf32, #tpu.memory_space<vmem>>
      tpu.enqueue_dma source(%dma_start3A_212 : memref<512xf32, #tpu.memory_space<vmem>>) target(%dma_start3A_210 : memref<512xf32, #tpu.memory_space<hbm>>) target_semaphore(%run_scoped3A : memref<!tpu.dma_semaphore, #tpu.memory_space<semaphore_mem>>)
      %dma_wait3A_213 = arith.constant 2560 : i32
      %dma_wait3A_214 = tpu.memref_slice %arg16[%dma_wait3A_213] : memref<3072xf32, #tpu.memory_space<vmem>> -> memref<512xf32, #tpu.memory_space<vmem>>
      %dma_wait3A_215 = tpu.memref_slice %arg12[%mul3A_202] : memref<16384xf32, #tpu.memory_space<hbm>> -> memref<512xf32, #tpu.memory_space<hbm>>
      %dma_wait3A_216 = tpu.memref_slice %arg12[%mul3A_202] : memref<16384xf32, #tpu.memory_space<hbm>> -> memref<512xf32, #tpu.memory_space<hbm>>
      %dma_wait3A_217 = arith.constant 2560 : i32
      %dma_wait3A_218 = tpu.memref_slice %arg16[%dma_wait3A_217] : memref<3072xf32, #tpu.memory_space<vmem>> -> memref<512xf32, #tpu.memory_space<vmem>>
      tpu.wait_dma2 semaphore(%run_scoped3A : memref<!tpu.dma_semaphore, #tpu.memory_space<semaphore_mem>>) src(%dma_wait3A_218 : memref<512xf32, #tpu.memory_space<vmem>>) dst(%dma_wait3A_216 : memref<512xf32, #tpu.memory_space<hbm>>)
      tpu.yield
    }) : () -> ()
    %mul3A_203 = arith.constant 512 : i32
    %mul3A_204 = arith.muli %add3A, %mul3A_203 : i32
    "tpu.region"() ({
      %run_scoped3A = tpu.sem_alloc : memref<!tpu.dma_semaphore, #tpu.memory_space<semaphore_mem>>
      %dma_start3A_207 = arith.constant 0 : i32
      %dma_start3A_208 = tpu.memref_slice %arg17[%dma_start3A_207] : memref<1024xf32, #tpu.memory_space<vmem>> -> memref<512xf32, #tpu.memory_space<vmem>>
      %dma_start3A_209 = tpu.memref_slice %arg13[%mul3A_204] : memref<16384xf32, #tpu.memory_space<hbm>> -> memref<512xf32, #tpu.memory_space<hbm>>
      %dma_start3A_210 = tpu.memref_slice %arg13[%mul3A_204] : memref<16384xf32, #tpu.memory_space<hbm>> -> memref<512xf32, #tpu.memory_space<hbm>>
      %dma_start3A_211 = arith.constant 0 : i32
      %dma_start3A_212 = tpu.memref_slice %arg17[%dma_start3A_211] : memref<1024xf32, #tpu.memory_space<vmem>> -> memref<512xf32, #tpu.memory_space<vmem>>
      tpu.enqueue_dma source(%dma_start3A_212 : memref<512xf32, #tpu.memory_space<vmem>>) target(%dma_start3A_210 : memref<512xf32, #tpu.memory_space<hbm>>) target_semaphore(%run_scoped3A : memref<!tpu.dma_semaphore, #tpu.memory_space<semaphore_mem>>)
      %dma_wait3A_213 = arith.constant 0 : i32
      %dma_wait3A_214 = tpu.memref_slice %arg17[%dma_wait3A_213] : memref<1024xf32, #tpu.memory_space<vmem>> -> memref<512xf32, #tpu.memory_space<vmem>>
      %dma_wait3A_215 = tpu.memref_slice %arg13[%mul3A_204] : memref<16384xf32, #tpu.memory_space<hbm>> -> memref<512xf32, #tpu.memory_space<hbm>>
      %dma_wait3A_216 = tpu.memref_slice %arg13[%mul3A_204] : memref<16384xf32, #tpu.memory_space<hbm>> -> memref<512xf32, #tpu.memory_space<hbm>>
      %dma_wait3A_217 = arith.constant 0 : i32
      %dma_wait3A_218 = tpu.memref_slice %arg17[%dma_wait3A_217] : memref<1024xf32, #tpu.memory_space<vmem>> -> memref<512xf32, #tpu.memory_space<vmem>>
      tpu.wait_dma2 semaphore(%run_scoped3A : memref<!tpu.dma_semaphore, #tpu.memory_space<semaphore_mem>>) src(%dma_wait3A_218 : memref<512xf32, #tpu.memory_space<vmem>>) dst(%dma_wait3A_216 : memref<512xf32, #tpu.memory_space<hbm>>)
      tpu.yield
    }) : () -> ()
    %mul3A_205 = arith.constant 512 : i32
    %mul3A_206 = arith.muli %add3A, %mul3A_205 : i32
    "tpu.region"() ({
      %run_scoped3A = tpu.sem_alloc : memref<!tpu.dma_semaphore, #tpu.memory_space<semaphore_mem>>
      %dma_start3A_207 = arith.constant 512 : i32
      %dma_start3A_208 = tpu.memref_slice %arg17[%dma_start3A_207] : memref<1024xf32, #tpu.memory_space<vmem>> -> memref<512xf32, #tpu.memory_space<vmem>>
      %dma_start3A_209 = tpu.memref_slice %arg14[%mul3A_206] : memref<16384xf32, #tpu.memory_space<hbm>> -> memref<512xf32, #tpu.memory_space<hbm>>
      %dma_start3A_210 = tpu.memref_slice %arg14[%mul3A_206] : memref<16384xf32, #tpu.memory_space<hbm>> -> memref<512xf32, #tpu.memory_space<hbm>>
      %dma_start3A_211 = arith.constant 512 : i32
      %dma_start3A_212 = tpu.memref_slice %arg17[%dma_start3A_211] : memref<1024xf32, #tpu.memory_space<vmem>> -> memref<512xf32, #tpu.memory_space<vmem>>
      tpu.enqueue_dma source(%dma_start3A_212 : memref<512xf32, #tpu.memory_space<vmem>>) target(%dma_start3A_210 : memref<512xf32, #tpu.memory_space<hbm>>) target_semaphore(%run_scoped3A : memref<!tpu.dma_semaphore, #tpu.memory_space<semaphore_mem>>)
      %dma_wait3A_213 = arith.constant 512 : i32
      %dma_wait3A_214 = tpu.memref_slice %arg17[%dma_wait3A_213] : memref<1024xf32, #tpu.memory_space<vmem>> -> memref<512xf32, #tpu.memory_space<vmem>>
      %dma_wait3A_215 = tpu.memref_slice %arg14[%mul3A_206] : memref<16384xf32, #tpu.memory_space<hbm>> -> memref<512xf32, #tpu.memory_space<hbm>>
      %dma_wait3A_216 = tpu.memref_slice %arg14[%mul3A_206] : memref<16384xf32, #tpu.memory_space<hbm>> -> memref<512xf32, #tpu.memory_space<hbm>>
      %dma_wait3A_217 = arith.constant 512 : i32
      %dma_wait3A_218 = tpu.memref_slice %arg17[%dma_wait3A_217] : memref<1024xf32, #tpu.memory_space<vmem>> -> memref<512xf32, #tpu.memory_space<vmem>>
      tpu.wait_dma2 semaphore(%run_scoped3A : memref<!tpu.dma_semaphore, #tpu.memory_space<semaphore_mem>>) src(%dma_wait3A_218 : memref<512xf32, #tpu.memory_space<vmem>>) dst(%dma_wait3A_216 : memref<512xf32, #tpu.memory_space<hbm>>)
      tpu.yield
    }) : () -> ()
    return
  }
}

module attributes {stable_mosaic.version = 14 : i64} {
  func.func @_tc_body(%arg0: memref<128x128xi32, #tpu.memory_space<vmem>>, %arg1: memref<1x128xf32, #tpu.memory_space<vmem>>, %arg2: memref<1x128xf32, #tpu.memory_space<vmem>>, %arg3: memref<1x128xf32, #tpu.memory_space<vmem>>, %arg4: memref<128x128xf32, #tpu.memory_space<vmem>>, %arg5: memref<128x128xf32, #tpu.memory_space<vmem>>, %arg6: memref<128x128xf32, #tpu.memory_space<vmem>>, %arg7: memref<128x128xf32, #tpu.memory_space<vmem>>, %arg8: memref<128x128xf32, #tpu.memory_space<vmem>>, %arg9: memref<128x128xf32, #tpu.memory_space<vmem>>, %arg10: memref<128x128xf32, #tpu.memory_space<vmem>>, %arg11: memref<128x128xf32, #tpu.memory_space<vmem>>, %arg12: memref<128x128xi32, #tpu.memory_space<vmem>>, %arg13: memref<128x128xf32, #tpu.memory_space<vmem>>, %arg14: memref<128x128xf32, #tpu.memory_space<vmem>>, %arg15: memref<128x128xf32, #tpu.memory_space<vmem>>, %arg16: memref<1x1xf32, #tpu.memory_space<smem>>) attributes {dimension_semantics = [], scalar_prefetch = 0 : i64, scratch_operands = 0 : i64, tpu.core_type = #tpu.core_type<tc>} {
    %get3A = arith.constant 0 : index
    %get3A_0 = arith.constant 0 : index
    %get3A_1 = vector.load %arg0[%get3A, %get3A_0] : memref<128x128xi32, #tpu.memory_space<vmem>>, vector<128x128xi32>
    %get3A_2 = arith.constant 0 : index
    %get3A_3 = arith.constant 0 : index
    %get3A_4 = vector.load %arg1[%get3A_2, %get3A_3] : memref<1x128xf32, #tpu.memory_space<vmem>>, vector<1x128xf32>
    %broadcast_in_dim3A = vector.shape_cast %get3A_4 : vector<1x128xf32> to vector<1x128xf32>
    %broadcast_in_dim3A_5 = vector.broadcast %broadcast_in_dim3A : vector<1x128xf32> to vector<128x128xf32>
    %lt3A = arith.constant 0 : i32
    %lt3A_6 = vector.broadcast %lt3A : i32 to vector<128x128xi32>
    %lt3A_7 = arith.cmpi slt, %get3A_1, %lt3A_6 : vector<128x128xi32>
    %add3A = arith.constant 128 : i32
    %add3A_8 = vector.broadcast %add3A : i32 to vector<128x128xi32>
    %add3A_9 = arith.addi %get3A_1, %add3A_8 : vector<128x128xi32>
    %select_n3A = arith.select %lt3A_7, %add3A_9, %get3A_1 : vector<128x128xi1>, vector<128x128xi32>
    %reshape3A = vector.shape_cast %select_n3A : vector<128x128xi32> to vector<128x128x1xi32>
    %gather3A = vector.shape_cast %reshape3A : vector<128x128x1xi32> to vector<128x128xi32>
    %gather3A_10 = tpu.dynamic_gather %broadcast_in_dim3A_5[%gather3A] in [1] : vector<128x128xf32>, vector<128x128xi32> -> vector<128x128xf32>
    %get3A_11 = arith.constant 0 : index
    %get3A_12 = arith.constant 0 : index
    %get3A_13 = vector.load %arg2[%get3A_11, %get3A_12] : memref<1x128xf32, #tpu.memory_space<vmem>>, vector<1x128xf32>
    %broadcast_in_dim3A_14 = vector.shape_cast %get3A_13 : vector<1x128xf32> to vector<1x128xf32>
    %broadcast_in_dim3A_15 = vector.broadcast %broadcast_in_dim3A_14 : vector<1x128xf32> to vector<128x128xf32>
    %lt3A_16 = arith.constant 0 : i32
    %lt3A_17 = vector.broadcast %lt3A_16 : i32 to vector<128x128xi32>
    %lt3A_18 = arith.cmpi slt, %get3A_1, %lt3A_17 : vector<128x128xi32>
    %add3A_19 = arith.constant 128 : i32
    %add3A_20 = vector.broadcast %add3A_19 : i32 to vector<128x128xi32>
    %add3A_21 = arith.addi %get3A_1, %add3A_20 : vector<128x128xi32>
    %select_n3A_22 = arith.select %lt3A_18, %add3A_21, %get3A_1 : vector<128x128xi1>, vector<128x128xi32>
    %reshape3A_23 = vector.shape_cast %select_n3A_22 : vector<128x128xi32> to vector<128x128x1xi32>
    %gather3A_24 = vector.shape_cast %reshape3A_23 : vector<128x128x1xi32> to vector<128x128xi32>
    %gather3A_25 = tpu.dynamic_gather %broadcast_in_dim3A_15[%gather3A_24] in [1] : vector<128x128xf32>, vector<128x128xi32> -> vector<128x128xf32>
    %get3A_26 = arith.constant 0 : index
    %get3A_27 = arith.constant 0 : index
    %get3A_28 = vector.load %arg3[%get3A_26, %get3A_27] : memref<1x128xf32, #tpu.memory_space<vmem>>, vector<1x128xf32>
    %broadcast_in_dim3A_29 = vector.shape_cast %get3A_28 : vector<1x128xf32> to vector<1x128xf32>
    %broadcast_in_dim3A_30 = vector.broadcast %broadcast_in_dim3A_29 : vector<1x128xf32> to vector<128x128xf32>
    %lt3A_31 = arith.constant 0 : i32
    %lt3A_32 = vector.broadcast %lt3A_31 : i32 to vector<128x128xi32>
    %lt3A_33 = arith.cmpi slt, %get3A_1, %lt3A_32 : vector<128x128xi32>
    %add3A_34 = arith.constant 128 : i32
    %add3A_35 = vector.broadcast %add3A_34 : i32 to vector<128x128xi32>
    %add3A_36 = arith.addi %get3A_1, %add3A_35 : vector<128x128xi32>
    %select_n3A_37 = arith.select %lt3A_33, %add3A_36, %get3A_1 : vector<128x128xi1>, vector<128x128xi32>
    %reshape3A_38 = vector.shape_cast %select_n3A_37 : vector<128x128xi32> to vector<128x128x1xi32>
    %gather3A_39 = vector.shape_cast %reshape3A_38 : vector<128x128x1xi32> to vector<128x128xi32>
    %gather3A_40 = tpu.dynamic_gather %broadcast_in_dim3A_30[%gather3A_39] in [1] : vector<128x128xf32>, vector<128x128xi32> -> vector<128x128xf32>
    %get3A_41 = arith.constant 0 : index
    %get3A_42 = arith.constant 0 : index
    %get3A_43 = vector.load %arg4[%get3A_41, %get3A_42] : memref<128x128xf32, #tpu.memory_space<vmem>>, vector<128x128xf32>
    %sub3A = arith.subf %get3A_43, %gather3A_10 : vector<128x128xf32>
    %get3A_44 = arith.constant 0 : index
    %get3A_45 = arith.constant 0 : index
    %get3A_46 = vector.load %arg5[%get3A_44, %get3A_45] : memref<128x128xf32, #tpu.memory_space<vmem>>, vector<128x128xf32>
    %sub3A_47 = arith.subf %get3A_46, %gather3A_25 : vector<128x128xf32>
    %get3A_48 = arith.constant 0 : index
    %get3A_49 = arith.constant 0 : index
    %get3A_50 = vector.load %arg6[%get3A_48, %get3A_49] : memref<128x128xf32, #tpu.memory_space<vmem>>, vector<128x128xf32>
    %sub3A_51 = arith.subf %get3A_50, %gather3A_40 : vector<128x128xf32>
    %get3A_52 = arith.constant 0 : index
    %get3A_53 = arith.constant 0 : index
    %get3A_54 = vector.load %arg7[%get3A_52, %get3A_53] : memref<128x128xf32, #tpu.memory_space<vmem>>, vector<128x128xf32>
    %sub3A_55 = arith.subf %get3A_54, %gather3A_10 : vector<128x128xf32>
    %get3A_56 = arith.constant 0 : index
    %get3A_57 = arith.constant 0 : index
    %get3A_58 = vector.load %arg8[%get3A_56, %get3A_57] : memref<128x128xf32, #tpu.memory_space<vmem>>, vector<128x128xf32>
    %sub3A_59 = arith.subf %get3A_58, %gather3A_25 : vector<128x128xf32>
    %get3A_60 = arith.constant 0 : index
    %get3A_61 = arith.constant 0 : index
    %get3A_62 = vector.load %arg9[%get3A_60, %get3A_61] : memref<128x128xf32, #tpu.memory_space<vmem>>, vector<128x128xf32>
    %sub3A_63 = arith.subf %get3A_62, %gather3A_40 : vector<128x128xf32>
    %mul3A = arith.mulf %sub3A, %sub3A : vector<128x128xf32>
    %mul3A_64 = arith.mulf %sub3A_47, %sub3A_47 : vector<128x128xf32>
    %add3A_65 = arith.addf %mul3A, %mul3A_64 : vector<128x128xf32>
    %mul3A_66 = arith.mulf %sub3A_51, %sub3A_51 : vector<128x128xf32>
    %add3A_67 = arith.addf %add3A_65, %mul3A_66 : vector<128x128xf32>
    %mul3A_68 = arith.mulf %sub3A_55, %sub3A_55 : vector<128x128xf32>
    %mul3A_69 = arith.mulf %sub3A_59, %sub3A_59 : vector<128x128xf32>
    %add3A_70 = arith.addf %mul3A_68, %mul3A_69 : vector<128x128xf32>
    %mul3A_71 = arith.mulf %sub3A_63, %sub3A_63 : vector<128x128xf32>
    %add3A_72 = arith.addf %add3A_70, %mul3A_71 : vector<128x128xf32>
    %get3A_73 = arith.constant 0 : index
    %get3A_74 = arith.constant 0 : index
    %get3A_75 = vector.load %arg12[%get3A_73, %get3A_74] : memref<128x128xi32, #tpu.memory_space<vmem>>, vector<128x128xi32>
    %eq3A = arith.constant 0 : i32
    %eq3A_76 = vector.broadcast %eq3A : i32 to vector<128x128xi32>
    %eq3A_77 = arith.cmpi eq, %get3A_75, %eq3A_76 : vector<128x128xi32>
    %jit3A = arith.constant 0.166666672 : f32
    %jit3A_78 = arith.constant 0.288333327 : f32
    %broadcast_in_dim3A_79 = vector.broadcast %jit3A : f32 to vector<128x128xf32>
    %broadcast_in_dim3A_80 = vector.broadcast %jit3A_78 : f32 to vector<128x128xf32>
    %select_n3A_81 = arith.select %eq3A_77, %broadcast_in_dim3A_79, %broadcast_in_dim3A_80 : vector<128x128xi1>, vector<128x128xf32>
    %get3A_82 = arith.constant 0 : index
    %get3A_83 = arith.constant 0 : index
    %get3A_84 = vector.load %arg10[%get3A_82, %get3A_83] : memref<128x128xf32, #tpu.memory_space<vmem>>, vector<128x128xf32>
    %get3A_85 = arith.constant 0 : index
    %get3A_86 = arith.constant 0 : index
    %get3A_87 = vector.load %arg11[%get3A_85, %get3A_86] : memref<128x128xf32, #tpu.memory_space<vmem>>, vector<128x128xf32>
    %sub3A_88 = arith.subf %get3A_84, %get3A_87 : vector<128x128xf32>
    %sqrt3A = math.sqrt %add3A_67 : vector<128x128xf32>
    %sqrt3A_89 = math.sqrt %add3A_72 : vector<128x128xf32>
    %sub3A_90 = arith.subf %sqrt3A, %sqrt3A_89 : vector<128x128xf32>
    %mul3A_91 = arith.mulf %sub3A_90, %select_n3A_81 : vector<128x128xf32>
    %add3A_92 = arith.addf %sub3A_88, %mul3A_91 : vector<128x128xf32>
    %swap3A = arith.constant 0 : index
    %swap3A_93 = arith.constant 0 : index
    %swap3A_94 = vector.load %arg15[%swap3A, %swap3A_93] : memref<128x128xf32, #tpu.memory_space<vmem>>, vector<128x128xf32>
    tpu.vector_store %arg15[%swap3A, %swap3A_93], %add3A_92 {strides = array<i32>} : memref<128x128xf32, #tpu.memory_space<vmem>>, vector<128x128xf32>,
    %get3A_95 = arith.constant 0 : index
    %get3A_96 = arith.constant 0 : index
    %get3A_97 = vector.load %arg13[%get3A_95, %get3A_96] : memref<128x128xf32, #tpu.memory_space<vmem>>, vector<128x128xf32>
    %sub3A_98 = arith.subf %add3A_92, %get3A_97 : vector<128x128xf32>
    %abs3A = math.absf %sub3A_98 : vector<128x128xf32>
    %lt3A_99 = arith.constant 1.000000e+00 : f32
    %lt3A_100 = vector.broadcast %lt3A_99 : f32 to vector<128x128xf32>
    %lt3A_101 = arith.cmpf olt, %abs3A, %lt3A_100 : vector<128x128xf32>
    %mul3A_102 = arith.constant 5.000000e-01 : f32
    %mul3A_103 = vector.broadcast %mul3A_102 : f32 to vector<128x128xf32>
    %mul3A_104 = arith.mulf %mul3A_103, %sub3A_98 : vector<128x128xf32>
    %mul3A_105 = arith.mulf %mul3A_104, %sub3A_98 : vector<128x128xf32>
    %sub3A_106 = arith.constant 5.000000e-01 : f32
    %sub3A_107 = vector.broadcast %sub3A_106 : f32 to vector<128x128xf32>
    %sub3A_108 = arith.subf %abs3A, %sub3A_107 : vector<128x128xf32>
    %select_n3A_109 = arith.select %lt3A_101, %mul3A_105, %sub3A_108 : vector<128x128xi1>, vector<128x128xf32>
    %get3A_110 = arith.constant 0 : index
    %get3A_111 = arith.constant 0 : index
    %get3A_112 = vector.load %arg14[%get3A_110, %get3A_111] : memref<128x128xf32, #tpu.memory_space<vmem>>, vector<128x128xf32>
    %mul3A_113 = arith.mulf %select_n3A_109, %get3A_112 : vector<128x128xf32>
    %reduce_sum3A = vector.shape_cast %mul3A_113 : vector<128x128xf32> to vector<1x128x128xf32>
    %reduce_sum3A_114 = arith.constant dense<0.000000e+00> : vector<1xf32>
    %reduce_sum3A_115 = vector.multi_reduction <add>, %reduce_sum3A, %reduce_sum3A_114 [1, 2] : vector<1x128x128xf32> to vector<1xf32>
    %reduce_sum3A_116 = vector.shape_cast %reduce_sum3A_115 : vector<1xf32> to vector<1x1x1xf32>
    %reduce_sum3A_117 = vector.extract %reduce_sum3A_116[0, 0, 0] : f32 from vector<1x1x1xf32>
    %swap3A_118 = arith.constant 0 : index
    %swap3A_119 = arith.constant 0 : index
    %swap3A_120 = memref.load %arg16[%swap3A_118, %swap3A_119] : memref<1x1xf32, #tpu.memory_space<smem>>
    memref.store %reduce_sum3A_117, %arg16[%swap3A_118, %swap3A_119] : memref<1x1xf32, #tpu.memory_space<smem>>
    return
  }
}

</mosaic_0001>

<sc_bundles>
// kernel: kernel.4.cloned.1.call-start
scs
__scs_entry_jumppad:
0x0: {  	(pc) =	sbr.rel $0x88, $3  }
0x1: {  	(tag) =	ssettag $0x0;
	lr =	simm.s32 $0x1  }
0x2: {  	[smem:$0x3F99] =	sst lr;
	_ =	strace $0xD0000000  }
0x3: {  	_ = 	snop  }
0x4: {  	_ = 	snop  }
0x5: {  	_ = 	snop  }
0x6: {  	_ = 	snop  }
0x7: {  	_ = 	snop  }
__scs_overlays_trampoline_lowered:
0x8: {  	[smem:$0x3FA8] =	sst s0  }
0x9: {  	[smem:$0x3FA9] =	sst s1  }
0xa: {  	[smem:$0x3FAA] =	sst s2  }
0xb: {  	[smem:$0x3FAB] =	sst s3  }
0xc: {  	[smem:$0x3FAC] =	sst s4  }
0xd: {  	[smem:$0x3FAD] =	sst s5  }
0xe: {  	[smem:$0x3FAE] =	sst s6  }
0xf: {  	[smem:$0x3FAF] =	sst s7  }
0x10: {  	[smem:$0x3FB0] =	sst s8  }
0x11: {  	[smem:$0x3FB1] =	sst s9;
	s0 =	simm.s32 @!p0 $0x0  }
0x12: {  	s1 =	sld [smem:$0x3F97];
	s0 =	simm.s32 @p0 $0x1  }
0x13: {  	[smem:$0x3FB2] =	sst s0;
	s0 =	simm.s32 @!p1 $0x0  }
0x14: {  	s2 =	sld [smem:$0x3F96];
	s0 =	simm.s32 @p1 $0x1  }
0x15: {  	[smem:$0x3FB3] =	sst s0;
	s0 =	simm.s32 @!p2 $0x0  }
0x16: {  	s3 =	sld [smem:$0x3FDB];
	s0 =	simm.s32 @p2 $0x1  }
0x17: {  	s4 =	simm.s32 $0x1BF5;
	[smem:$0x3FB5] =	sst s0  }
0x18: {  	s0 =	sld [smem:$0x3F98];
	_ =	swait.ge [sflag:s4], $0x0  }
0x19: {  	s7 =	sld [smem:$0x3F99]  }
0x1a: {  	s8 =	sadd.s32 $0xFFFFE003, lr  }
0x1b: {  	s9 =	sadd.s32 $0xFFFFFEF7, lr;
	s5 =	simm.s32 $0xFFFFFFFF;
	p2 =	slt.u32 s8, $0xFFFFF086  }
0x1c: {  	p1 =	slt.u32 s9, $0xF7A;
	s5 =	simm.s32 @!p2 $0x0  }
0x1d: {  	s5 =	simm.s32 @p1 $0x1;
	p0 =	seq.s32 s7, s2  }
0x1e: {  	s7 =	smul.u32 @!p0 $0xF7A, s2;
	p2 =	seq.s32 @!p0 s5, $0x0  }
0x1f: {  	s9 =	smul.u32 $0xF7A, s1;
	s8 =	simm.s32 @!p0 $0x1BF5;
	p2 =	por !p2, p0  }
0x20: {  	[sflag:s8] =	ssyncset.s32 @!p0 $0xFFFFF086;
	s6 =	sadd.s32 @!p0 s3, s7;
	s7 =	simm.s32 @!p0 $0x108  }
0x21: {  	s3 =	sadd.s32 s3, s9;
	s6 =	sadd.s32 @!p0 $0x88, s6;
	s7 =	simm.s32 @p2 $0x1082  }
0x22: {  	[simem:s7], [sflag:s8] =	dma.local @!p0 [hbm:s6], $0xF7A  }
0x23: {  	s9 =	sor.u32 $0xD0000000, s2;
	s6 =	simm.s32 $0x108;
	_ =	swait.ge @!p0 [sflag:s8], $0x0  }
0x24: {  	s3 =	sadd.s32 $0x88, s3;
	s6 =	simm.s32 @!p1 $0x1082;
	[sflag:s4] =	ssyncset.s32 $0xFFFFF086  }
0x25: {  	[simem:s6], [sflag:s4] =	dma.local [hbm:s3], $0xF7A  }
0x26: {  	[smem:$0x3F99] =	sst s1;
	(tag) =	ssettag s2;
	_ =	strace s9  }
0x27: {  	s1 =	sld [smem:$0x3FA9]  }
0x28: {  	s2 =	sld [smem:$0x3FAA]  }
0x29: {  	s4 =	sld [smem:$0x3FAC]  }
0x2a: {  	p0 =	seq.s32 s5, $0x0;
	s5 =	sld [smem:$0x3FAD]  }
0x2b: {  	s6 =	sld [smem:$0x3FAE]  }
0x2c: {  	s7 =	sld [smem:$0x3FAF]  }
0x2d: {  	s3 =	simm.s32 $0x108;
	s8 =	sld [smem:$0x3FB0]  }
0x2e: {  	s3 =	simm.s32 @!p0 $0x1082;
	s9 =	sld [smem:$0x3FB1]  }
0x2f: {  	lr =	sadd.s32 s0, s3;
	s0 =	sld [smem:$0x3FA8]  }
0x30: {  	s3 =	sld [smem:$0x3FAB]  }
0x31: {  	[smem:$0x3FB4] =	sst s10  }
0x32: {  	s10 =	sld [smem:$0x3FB2];
	_ =	sdelay $0x3  }
0x33: {  	p0 =	seq.s32 s10, $0x1;
	s10 =	sld [smem:$0x3FB4];
	_ =	sdelay $0x3  }
0x34: {  	[smem:$0x3FB4] =	sst s10  }
0x35: {  	s10 =	sld [smem:$0x3FB3];
	_ =	sdelay $0x3  }
0x36: {  	p1 =	seq.s32 s10, $0x1;
	s10 =	sld [smem:$0x3FB4];
	_ =	sdelay $0x3  }
0x37: {  	[smem:$0x3FB4] =	sst s10  }
0x38: {  	s10 =	sld [smem:$0x3FB5]  }
0x39: {  	_ = 	snop;
	(pc) =	sbr.ind lr, $3  }
0x3a: {  	_ = 	snop  }
0x3b: {  	_ = 	snop  }
0x3c: {  	p2 =	seq.s32 s10, $0x1;
	s10 =	sld [smem:$0x3FB4]  }
0x3d: {  	_ =	shalt  }
0x3e: {  	_ =	shalt  }
0x3f: {  	_ =	shalt  }
0x40: {  	_ =	shalt  }
0x41: {  	_ =	shalt  }
0x42: {  	_ =	shalt  }
0x43: {  	_ =	shalt  }
0x44: {  	_ =	shalt  }
0x45: {  	_ =	shalt  }
0x46: {  	_ =	shalt  }
0x47: {  	_ =	shalt  }
0x48: {  	_ =	shalt  }
0x49: {  	_ =	shalt  }
0x4a: {  	_ =	shalt  }
0x4b: {  	_ =	shalt  }
0x4c: {  	_ =	shalt  }
0x4d: {  	_ =	shalt  }
0x4e: {  	_ =	shalt  }
0x4f: {  	_ =	shalt  }
0x50: {  	_ =	shalt  }
0x51: {  	_ =	shalt  }
0x52: {  	_ =	shalt  }
0x53: {  	_ =	shalt  }
0x54: {  	_ =	shalt  }
0x55: {  	_ =	shalt  }
0x56: {  	_ =	shalt  }
0x57: {  	_ =	shalt  }
0x58: {  	_ =	shalt  }
0x59: {  	_ =	shalt  }
0x5a: {  	_ =	shalt  }
0x5b: {  	_ =	shalt  }
0x5c: {  	_ =	shalt  }
0x5d: {  	_ =	shalt  }
0x5e: {  	_ =	shalt  }
0x5f: {  	_ =	shalt  }
0x60: {  	_ =	shalt  }
0x61: {  	_ =	shalt  }
0x62: {  	_ =	shalt  }
0x63: {  	_ =	shalt  }
0x64: {  	_ =	shalt  }
0x65: {  	_ =	shalt  }
0x66: {  	_ =	shalt  }
0x67: {  	_ =	shalt  }
0x68: {  	_ =	shalt  }
0x69: {  	_ =	shalt  }
0x6a: {  	_ =	shalt  }
0x6b: {  	_ =	shalt  }
0x6c: {  	_ =	shalt  }
0x6d: {  	_ =	shalt  }
0x6e: {  	_ =	shalt  }
0x6f: {  	_ =	shalt  }
0x70: {  	_ =	shalt  }
0x71: {  	_ =	shalt  }
0x72: {  	_ =	shalt  }
0x73: {  	_ =	shalt  }
0x74: {  	_ =	shalt  }
0x75: {  	_ =	shalt  }
0x76: {  	_ =	shalt  }
0x77: {  	_ =	shalt  }
0x78: {  	_ =	shalt  }
0x79: {  	_ =	shalt  }
0x7a: {  	_ =	shalt  }
0x7b: {  	_ =	shalt  }
0x7c: {  	_ =	shalt  }
0x7d: {  	_ =	shalt  }
0x7e: {  	_ =	shalt  }
0x7f: {  	_ =	shalt  }
0x80: {  	_ =	shalt  }
0x81: {  	_ =	shalt  }
0x82: {  	_ =	shalt  }
0x83: {  	_ =	shalt  }
0x84: {  	_ =	shalt  }
0x85: {  	_ =	shalt  }
0x86: {  	_ =	shalt  }
0x87: {  	_ =	shalt  }
.Lfunc_end0:
.L_simem_size_0:
called_computation_lowered:
.L_overlay_start_0:
0x88: {  	s2 =	sld [smem:$0x3FD9]  }
0x89: {  	s3 =	sld [smem:$0x3FFE];
	_ =	sdelay $0x1  }
0x8a: {  	s1 =	srdreg.scid  }
0x8b: {  	s0 =	sand.u32 $0x1, s1  }
0x8c: {  	s14 =	sshll.u32 s0, $0xA;
	s2 =	sadd.s32 s3, s2  }
0x8d: {  	s2 =	sadd.s32 s2, s14  }
0x8e: {  	[smem:$0x3FC0] =	sst s2  }
0x8f: {  	_ = 	snop  }
0x90: {  	s2 =	sld [smem:$0x3FD0];
	_ =	sdelay $0x2  }
0x91: {  	s15 =	simm.s32 $0xA;
	s4 =	simm.s32 $0x10  }
0x92: {  	[smem:s4], [sflag:s15] =	dma.local [hbm:s2], $0x1  }
0x93: {  	_ =	swait.eq [sflag:s15], $0x1  }
0x94: {  	[sflag:s15] =	ssyncset.done $0x0  }
0x95: {  	[sflag:s15] =	ssyncadd.s32 $0xFFFFFFFF  }
0x96: {  	s16 =	sld [smem:$0x10];
	(tm) =	ssettm $0x1  }
0x97: {  	s17 =	sld [smem:$0x3FFB];
	_ =	sdelay $0x3  }
0x98: {  	_ =	strace s17  }
0x99: {  	s3 =	sld [smem:$0x3FFC];
	_ =	sdelay $0x3  }
0x9a: {  	_ =	strace s3  }
0x9b: {  	s3 =	sld [smem:$0x3FFD];
	_ =	sdelay $0x3  }
0x9c: {  	_ =	strace s3  }
0x9d: {  	_ =	strace $0x8FFFFFFF  }
0x9e: {  	s18 =	sld [smem:$0x3FDB];
	_ =	sdelay $0x1  }
0x9f: {  	s19 =	simm.s32 $_scs_section_size  }
0xa0: {  	s5 =	simm.s32 $_size__tile_overlayer_lowered;
	s6 =	simm.s32 $_tile_overlayer_lowered  }
0xa1: {  	s22 =	simm.s32 $0x1BFF;
	s21 =	sshll.u32 s6, $0x1;
	s3 =	sadd.s32 s19, s18  }
0xa2: {  	s7 =	simm.s32 $0x0;
	s20 =	sshll.u32 s5, $0x1;
	s5 =	sadd.s32 s21, s3  }
0xa3: {  	[timem:s7], [sflag:s22] =	dma.local [hbm:s5], s20  }
0xa4: {  	_ =	swait.ge [sflag:s22], s20  }
0xa5: {  	s4 =	ssub.s32 $0x0, s20;
	[sflag:s22] =	ssyncset.done $0x0  }
0xa6: {  	[sflag:s22] =	ssyncadd.s32 s4;
	_ =	sdelay $0x1  }
0xa7: {  	s23 =	simm.s32 $0x1B8B  }
0xa8: {  	_ =	swait.ge [sflag:s23], $0x1  }
0xa9: {  	[sflag:s23] =	ssyncset.done $0x0  }
0xaa: {  	s25 =	simm.s32 $0x1B8E;
	s24 =	sld [smem:$0x3FFE];
	[sflag:s23] =	ssyncadd.s32 $0xFFFFFFFF  }
0xab: {  	s26 =	simm.s32 $execute0_lowered;
	[smem:$0x3FD2] =	sst s25  }
0xac: {  	s5 =	sshll.u32 s26, $0x1;
	_ =	strace $0x80000046;
	[dreg:$0x1] =	wrdreg $0xFFFFFFFF  }
0xad: {  	s28 =	simm.s32 $_size_execute0_lowered;
	s3 =	sadd.s32 s3, s5;
	[dreg:$0x0] =	wrdreg $0x0  }
0xae: {  	s5 =	sshll.u32 s28, $0x1;
	[dreg:$0x2] =	wrdreg s3  }
0xaf: {  	[dreg:$0x3] =	wrdreg s5  }
0xb0: {  	[dreg:$0x4] =	wrdreg $0xC0  }
0xb1: {  	_ =	task [dreg:s7], $0x5FFFF  }
0xb2: {  	[dreg:$0x1] =	wrdreg $0xFFFFFFFF  }
0xb3: {  	[dreg:$0x0] =	wrdreg $0x60  }
0xb4: {  	[dreg:$0x2] =	wrdreg s24  }
0xb5: {  	[dreg:$0x3] =	wrdreg s16  }
0xb6: {  	[dreg:$0x4] =	wrdreg $0x9  }
0xb7: {  	_ =	task.clear_ibuf [dreg:s7], $0x5FFFF;
	_ =	strace $0x90000046  }
0xb8: {  	s29 =	simm.s32 $0x9;
	_ =	strace $0x80000048  }
0xb9: {  	_ =	swait.ge [sflag:s29], $0x1  }
0xba: {  	[sflag:s29] =	ssyncadd.s32 $0xFFFFFFFF  }
0xbb: {  	_ =	strace $0x90000048  }
0xbc: {  	_ =	sfence  }
0xbd: {  	s30 =	sld [smem:$0x0];
	_ =	sdelay $0x2  }
0xbe: {  	s31 =	sshll.u32 s1, $0xD;
	s1 =	sshrl.u32 s1, $0x2  }
0xbf: {  	s3 =	sand.u32 $0x4000, s31;
	s1 =	sadd.s32 s1, s30  }
0xc0: {  	s0 =	sor.u32 s3, s0;
	s1 =	sshll.u32 s1, $0x11  }
0xc1: {  	s0 =	sor.u32 s1, s0  }
0xc2: {  	s0 =	sadd.s32 $0x8F2B, s0  }
0xc3: {  	[sflag:s0] =	ssyncadd.remote.s32 $0x1  }
0xc4: {  	_ =	sfence.sel $0xFFFF  }
0xc5: {  	[dreg:$0x0] =	wrdreg $0xFFFFFFFF;
	(pc) =	sbr.abs _section_cstart, $3  }
0xc6: {  	[dreg:$0x1] =	wrdreg $0xFFFFFFFF  }
0xc7: {  	_ =	task.clear_ibuf [dreg:s7], $0x2FFFF;
	_ =	strace $0x9FFFFFFF  }
0xc8: {  	(tm) =	ssettm $0x7FFFFFFF  }
0xc9: {  	_ =	shalt  }
tec
execute0_lowered:
.L_overlay_start_1:
0x0: {  	(tag) =	ssettag $0x1  }
0x1: {  	s0 =	rddreg [dreg:$0x0]  }
0x2: {  	s4 =	stileid.u32;
	s1 =	srdreg.scid  }
0x3: {  	s3 =	rddreg [dreg:$0x1];
	s23 =	simm.s32 $0x80;
	s19 =	simm.s32 $0x100  }
0x4: {  	s22 =	simm.s32 $0x500;
	s20 =	simm.s32 $0x200;
	s21 =	simm.s32 $0x300  }
0x5: {  	s24 =	simm.s32 $0x700;
	s25 =	simm.s32 $0x900;
	s26 =	simm.s32 $0xB00  }
0x6: {  	s28 =	simm.s32 $0xD00;
	p0 =	por $0x0, $0x0;
	s29 =	simm.s32 $0xF00  }
0x7: {  	s30 =	simm.s32 $0x1100;
	s31 =	simm.s32 $0x1300;
	s1 =	sand.u32 $0x1, s1  }
0x8: {  	s2 =	sshll.u32 s4, $0x1;
	s4 =	sshll.u32 s4, $0x8;
	s17 =	sadd.s32 $0x5CE00, s0  }
0x9: {  	s15 =	sadd.s32 $0x3E400, s0;
	s18 =	sadd.s32 $0x1FA00, s0;
	s16 =	sadd.s32 $0x1000, s0  }
0xa: {  	s5 =	sor.u32 s1, s2;
	s2 =	simm.s32 $0x0;
	s4 =	sand.u32 $0xC00, s4  }
0xb: {  	s1 =	ssub.s32 $0x2, s1;
	s6 =	sshll.u32 s5, $0x4;
	[smem:$0x7FF] =	sst s2  }
0xc: {  	s4 =	sadd.s32 s4, s0;
	s5 =	sshll.u32 s5, $0x6;
	s11 =	sshrl.u32 s1, $0x1  }
0xd: {  	s6 =	sand.u32 $0x70, s6;
	_ =	strace $0x80000047;
	s7 =	sadd.s32 s5, s0  }
0xe: {  	s3 =	sadd.s32 s3, s5;
	s1 =	ssub.s32 s1, s11;
	s11 =	simm.s32 $0x800  }
0xf: {  	s4 =	sadd.s32 s6, s4;
	[dreg:$0x4] =	wrdreg s3;
	s8 =	sadd.s32 $0x7C800, s7  }
0x10: {  	s9 =	sadd.s32 $0x7D000, s7;
	s10 =	sadd.s32 $0x7D800, s7;
	s12 =	sadd.s32 $0x7E000, s7  }
0x11: {  	s13 =	sadd.s32 $0x7E800, s7;
	s5 =	sadd.s32 $0x7F000, s7;
	[dreg:$0x5] =	wrdreg s8  }
0x12: {  	s3 =	sadd.s32 $0x7F800, s7;
	s14 =	smax.u32 s1, $0x1;
	[dreg:$0x6] =	wrdreg s9  }
0x13: {  	s7 =	simm.s32 $0xE00;
	[dreg:$0x7] =	wrdreg s10;
	p1 =	sne.s32 s14, $0x1  }
.Ltmp0:
0x14: {  	s6 =	simm.s32 $0x1200;
	[dreg:$0x8] =	wrdreg s12;
	(pc) =	sbr.rel @!p1 .LBB2_3-.Ltmp0, $4  }
0x15: {  	s4 =	sadd.s32 $0x7B800, s4;
	[dreg:$0x9] =	wrdreg s13;
	s12 =	simm.s32 $0x400  }
0x16: {  	s13 =	simm.s32 $0x600;
	s10 =	simm.s32 $0xA00;
	s9 =	simm.s32 $0xC00  }
0x17: {  	s1 =	sadd.s32 $0xFFFFFFFF, s14;
	s8 =	simm.s32 $0x1000;
	[dreg:$0x3] =	wrdreg s4  }
0x18: {  	s14 =	simm.s32 $0x1;
	s4 =	simm.s32 $0x2;
	s0 =	rddreg [dreg:$0x3]  }
0x19: {  	[tilespmem:s2], [sflag:$0x2] =	stream.strided.gather [hbm4b:s0+s23], $0x400, s12, s23, $0x38;
	[tilespmem:$0x1400] =	vst v63  }
0x1a: {  	_ =	swait.ge [sflag:s4], $0x400  }
0x1b: {  	[sflag:s4] =	ssyncset.done $0x0  }
0x1c: {  	[sflag:s4] =	ssyncadd.s32 $0xFFFFFC00  }
0x1d: {  	[tilespmem:s12], [sflag:$0x1] =	stream.indirect.gather [hbm4b:s17+s19], $0x1, s2, s19, $0xb8;
	[tilespmem:$0x1400] =	vst v63  }
0x1e: {  	_ = 	snop  }
0x1f: {  	[tilespmem:s22], [sflag:$0x1] =	stream.indirect.gather [hbm4b:s17+s19], $0x1, s19, s19, $0xb8;
	[tilespmem:$0x1400] =	vst v63  }
0x20: {  	_ = 	snop  }
0x21: {  	[tilespmem:s13], [sflag:$0x1] =	stream.indirect.gather [hbm4b:s17+s19], $0x1, s20, s19, $0xb8;
	[tilespmem:$0x1400] =	vst v63  }
0x22: {  	_ = 	snop  }
0x23: {  	[tilespmem:s24], [sflag:$0x1] =	stream.indirect.gather [hbm4b:s17+s19], $0x1, s21, s19, $0xb8;
	[tilespmem:$0x1400] =	vst v63  }
0x24: {  	_ = 	snop  }
0x25: {  	[tilespmem:s11], [sflag:$0x1] =	stream.indirect.gather [hbm4b:s15+s19], $0x1, s2, s19, $0xb8;
	[tilespmem:$0x1400] =	vst v63  }
0x26: {  	_ = 	snop  }
0x27: {  	[tilespmem:s25], [sflag:$0x1] =	stream.indirect.gather [hbm4b:s15+s19], $0x1, s19, s19, $0xb8;
	[tilespmem:$0x1400] =	vst v63  }
0x28: {  	_ = 	snop  }
0x29: {  	[tilespmem:s10], [sflag:$0x1] =	stream.indirect.gather [hbm4b:s15+s19], $0x1, s20, s19, $0xb8;
	[tilespmem:$0x1400] =	vst v63  }
0x2a: {  	_ = 	snop  }
0x2b: {  	[tilespmem:s26], [sflag:$0x1] =	stream.indirect.gather [hbm4b:s15+s19], $0x1, s21, s19, $0xb8;
	[tilespmem:$0x1400] =	vst v63  }
0x2c: {  	_ = 	snop  }
0x2d: {  	[tilespmem:s9], [sflag:$0x1] =	stream.indirect.gather [hbm4b:s18+s19], $0x1, s2, s19, $0xb8;
	[tilespmem:$0x1400] =	vst v63  }
0x2e: {  	_ = 	snop  }
0x2f: {  	[tilespmem:s28], [sflag:$0x1] =	stream.indirect.gather [hbm4b:s18+s19], $0x1, s19, s19, $0xb8;
	[tilespmem:$0x1400] =	vst v63  }
0x30: {  	_ = 	snop  }
0x31: {  	[tilespmem:s7], [sflag:$0x1] =	stream.indirect.gather [hbm4b:s18+s19], $0x1, s20, s19, $0xb8;
	[tilespmem:$0x1400] =	vst v63  }
0x32: {  	_ = 	snop  }
0x33: {  	[tilespmem:s29], [sflag:$0x1] =	stream.indirect.gather [hbm4b:s18+s19], $0x1, s21, s19, $0xb8;
	[tilespmem:$0x1400] =	vst v63  }
0x34: {  	_ = 	snop  }
0x35: {  	[tilespmem:s8], [sflag:$0x1] =	stream.indirect.gather [hbm4b:s16+s19], $0x1, s2, s19, $0xb8;
	[tilespmem:$0x1400] =	vst v63  }
0x36: {  	_ = 	snop  }
0x37: {  	[tilespmem:s30], [sflag:$0x1] =	stream.indirect.gather [hbm4b:s16+s19], $0x1, s19, s19, $0xb8;
	[tilespmem:$0x1400] =	vst v63  }
0x38: {  	_ = 	snop  }
0x39: {  	[tilespmem:s6], [sflag:$0x1] =	stream.indirect.gather [hbm4b:s16+s19], $0x1, s20, s19, $0xb8;
	[tilespmem:$0x1400] =	vst v63  }
0x3a: {  	_ = 	snop  }
0x3b: {  	[tilespmem:s31], [sflag:$0x1] =	stream.indirect.gather [hbm4b:s16+s19], $0x1, s21, s19, $0xb8;
	[tilespmem:$0x1400] =	vst v63  }
0x3c: {  	_ =	swait.ge [sflag:s14], $0x100  }
0x3d: {  	[sflag:s14] =	ssyncset.done $0x0  }
0x3e: {  	[sflag:s14] =	ssyncadd.s32 $0xFFFFFF00  }
0x3f: {  	_ =	swait.ge [sflag:s14], $0x100  }
0x40: {  	[sflag:s14] =	ssyncset.done $0x0  }
0x41: {  	[sflag:s14] =	ssyncadd.s32 $0xFFFFFF00  }
0x42: {  	_ =	swait.ge [sflag:s14], $0x100  }
0x43: {  	[sflag:s14] =	ssyncset.done $0x0  }
0x44: {  	[sflag:s14] =	ssyncadd.s32 $0xFFFFFF00  }
0x45: {  	_ =	swait.ge [sflag:s14], $0x100  }
0x46: {  	[sflag:s14] =	ssyncset.done $0x0  }
0x47: {  	[sflag:s14] =	ssyncadd.s32 $0xFFFFFF00  }
0x48: {  	_ =	swait.ge [sflag:s14], $0x100  }
0x49: {  	[sflag:s14] =	ssyncset.done $0x0  }
0x4a: {  	[sflag:s14] =	ssyncadd.s32 $0xFFFFFF00  }
0x4b: {  	_ =	swait.ge [sflag:s14], $0x100  }
0x4c: {  	[sflag:s14] =	ssyncset.done $0x0  }
0x4d: {  	[sflag:s14] =	ssyncadd.s32 $0xFFFFFF00  }
0x4e: {  	_ =	swait.ge [sflag:s14], $0x100  }
0x4f: {  	[sflag:s14] =	ssyncset.done $0x0  }
0x50: {  	[sflag:s14] =	ssyncadd.s32 $0xFFFFFF00  }
0x51: {  	_ =	swait.ge [sflag:s14], $0x100  }
0x52: {  	[sflag:s14] =	ssyncset.done $0x0  }
0x53: {  	[sflag:s14] =	ssyncadd.s32 $0xFFFFFF00  }
0x54: {  	_ =	swait.ge [sflag:s14], $0x100  }
0x55: {  	[sflag:s14] =	ssyncset.done $0x0  }
0x56: {  	[sflag:s14] =	ssyncadd.s32 $0xFFFFFF00  }
0x57: {  	_ =	swait.ge [sflag:s14], $0x100  }
0x58: {  	[sflag:s14] =	ssyncset.done $0x0  }
0x59: {  	[sflag:s14] =	ssyncadd.s32 $0xFFFFFF00  }
0x5a: {  	_ =	swait.ge [sflag:s14], $0x100  }
0x5b: {  	[sflag:s14] =	ssyncset.done $0x0  }
0x5c: {  	[sflag:s14] =	ssyncadd.s32 $0xFFFFFF00  }
0x5d: {  	_ =	swait.ge [sflag:s14], $0x100  }
0x5e: {  	[sflag:s14] =	ssyncset.done $0x0  }
0x5f: {  	[sflag:s14] =	ssyncadd.s32 $0xFFFFFF00  }
0x60: {  	_ =	swait.ge [sflag:s14], $0x100  }
0x61: {  	[sflag:s14] =	ssyncset.done $0x0  }
0x62: {  	[sflag:s14] =	ssyncadd.s32 $0xFFFFFF00  }
0x63: {  	_ =	swait.ge [sflag:s14], $0x100  }
0x64: {  	[sflag:s14] =	ssyncset.done $0x0  }
0x65: {  	[sflag:s14] =	ssyncadd.s32 $0xFFFFFF00  }
0x66: {  	_ =	swait.ge [sflag:s14], $0x100  }
0x67: {  	[sflag:s14] =	ssyncset.done $0x0  }
0x68: {  	[sflag:s14] =	ssyncadd.s32 $0xFFFFFF00  }
0x69: {  	_ =	swait.ge [sflag:s14], $0x100  }
0x6a: {  	[sflag:s14] =	ssyncset.done $0x0  }
0x6b: {  	s0 =	rddreg [dreg:$0x4];
	[sflag:s14] =	ssyncadd.s32 $0xFFFFFF00  }
0x6c: {  	[hbm4b:s0+s2] =	stream.linear.scatter [tilespmem:s12], [sflag:$0x2], $0x200, $0x38;
	[tilespmem:$0x1400] =	vst v63  }
0x6d: {  	_ =	swait.ge [sflag:s4], $0x200  }
0x6e: {  	[sflag:s4] =	ssyncset.done $0x0  }
0x6f: {  	s0 =	rddreg [dreg:$0x5];
	[sflag:s4] =	ssyncadd.s32 $0xFFFFFE00  }
0x70: {  	[hbm4b:s0+s2] =	stream.linear.scatter [tilespmem:s13], [sflag:$0x2], $0x200, $0x38;
	[tilespmem:$0x1400] =	vst v63  }
0x71: {  	_ =	swait.ge [sflag:s4], $0x200  }
0x72: {  	[sflag:s4] =	ssyncset.done $0x0  }
0x73: {  	s0 =	rddreg [dreg:$0x6];
	[sflag:s4] =	ssyncadd.s32 $0xFFFFFE00  }
0x74: {  	[hbm4b:s0+s2] =	stream.linear.scatter [tilespmem:s11], [sflag:$0x2], $0x200, $0x38;
	[tilespmem:$0x1400] =	vst v63  }
0x75: {  	_ =	swait.ge [sflag:s4], $0x200  }
0x76: {  	[sflag:s4] =	ssyncset.done $0x0  }
0x77: {  	s0 =	rddreg [dreg:$0x7];
	[sflag:s4] =	ssyncadd.s32 $0xFFFFFE00  }
0x78: {  	[hbm4b:s0+s2] =	stream.linear.scatter [tilespmem:s10], [sflag:$0x2], $0x200, $0x38;
	[tilespmem:$0x1400] =	vst v63  }
0x79: {  	_ =	swait.ge [sflag:s4], $0x200  }
0x7a: {  	[sflag:s4] =	ssyncset.done $0x0  }
0x7b: {  	s0 =	rddreg [dreg:$0x8];
	[sflag:s4] =	ssyncadd.s32 $0xFFFFFE00  }
0x7c: {  	[hbm4b:s0+s2] =	stream.linear.scatter [tilespmem:s9], [sflag:$0x2], $0x200, $0x38;
	[tilespmem:$0x1400] =	vst v63  }
0x7d: {  	_ =	swait.ge [sflag:s4], $0x200  }
0x7e: {  	[sflag:s4] =	ssyncset.done $0x0  }
0x7f: {  	s0 =	rddreg [dreg:$0x9];
	[sflag:s4] =	ssyncadd.s32 $0xFFFFFE00  }
0x80: {  	[hbm4b:s0+s2] =	stream.linear.scatter [tilespmem:s7], [sflag:$0x2], $0x200, $0x38;
	[tilespmem:$0x1400] =	vst v63  }
0x81: {  	_ =	swait.ge [sflag:s4], $0x200  }
0x82: {  	[sflag:s4] =	ssyncset.done $0x0  }
0x83: {  	[sflag:s4] =	ssyncadd.s32 $0xFFFFFE00  }
0x84: {  	[hbm4b:s5+s2] =	stream.linear.scatter [tilespmem:s8], [sflag:$0x2], $0x200, $0x38;
	[tilespmem:$0x1400] =	vst v63  }
0x85: {  	p1 =	sne.s32 s1, $0x1;
	_ =	swait.ge [sflag:s4], $0x200  }
.Ltmp1:
0x86: {  	[sflag:s4] =	ssyncset.done $0x0;
	(pc) =	sbr.rel @!p1 .LBB2_3-.Ltmp1, $4  }
0x87: {  	[sflag:s4] =	ssyncadd.s32 $0xFFFFFE00  }
0x88: {  	[hbm4b:s3+s2] =	stream.linear.scatter [tilespmem:s6], [sflag:$0x2], $0x200, $0x38;
	[tilespmem:$0x1400] =	vst v63  }
0x89: {  	s1 =	sadd.s32 $0xFFFFFFFF, s1;
	_ =	swait.ge [sflag:s4], $0x200  }
0x8a: {  	p0 =	por $0x1, $0x1;
	s0 =	rddreg [dreg:$0x3];
	[sflag:s4] =	ssyncset.done $0x0  }
.LBB2_2:
0x8b: {  	[sflag:s4] =	ssyncadd.s32 $0xFFFFFE00  }
0x8c: {  	[tilespmem:s2], [sflag:$0x2] =	stream.strided.gather [hbm4b:s0+s23], $0x400, s12, s23, $0x38;
	[tilespmem:$0x1400] =	vst v63  }
0x8d: {  	_ =	swait.ge [sflag:s4], $0x400  }
0x8e: {  	[sflag:s4] =	ssyncset.done $0x0  }
0x8f: {  	[sflag:s4] =	ssyncadd.s32 $0xFFFFFC00  }
0x90: {  	[tilespmem:s12], [sflag:$0x1] =	stream.indirect.gather [hbm4b:s17+s19], $0x1, s2, s19, $0xb8;
	[tilespmem:$0x1400] =	vst v63  }
0x91: {  	_ = 	snop  }
0x92: {  	[tilespmem:s22], [sflag:$0x1] =	stream.indirect.gather [hbm4b:s17+s19], $0x1, s19, s19, $0xb8;
	[tilespmem:$0x1400] =	vst v63  }
0x93: {  	_ = 	snop  }
0x94: {  	[tilespmem:s13], [sflag:$0x1] =	stream.indirect.gather [hbm4b:s17+s19], $0x1, s20, s19, $0xb8;
	[tilespmem:$0x1400] =	vst v63  }
0x95: {  	_ = 	snop  }
0x96: {  	[tilespmem:s24], [sflag:$0x1] =	stream.indirect.gather [hbm4b:s17+s19], $0x1, s21, s19, $0xb8;
	[tilespmem:$0x1400] =	vst v63  }
0x97: {  	_ = 	snop  }
0x98: {  	[tilespmem:s11], [sflag:$0x1] =	stream.indirect.gather [hbm4b:s15+s19], $0x1, s2, s19, $0xb8;
	[tilespmem:$0x1400] =	vst v63  }
0x99: {  	_ = 	snop  }
0x9a: {  	[tilespmem:s25], [sflag:$0x1] =	stream.indirect.gather [hbm4b:s15+s19], $0x1, s19, s19, $0xb8;
	[tilespmem:$0x1400] =	vst v63  }
0x9b: {  	_ = 	snop  }
0x9c: {  	[tilespmem:s10], [sflag:$0x1] =	stream.indirect.gather [hbm4b:s15+s19], $0x1, s20, s19, $0xb8;
	[tilespmem:$0x1400] =	vst v63  }
0x9d: {  	_ = 	snop  }
0x9e: {  	[tilespmem:s26], [sflag:$0x1] =	stream.indirect.gather [hbm4b:s15+s19], $0x1, s21, s19, $0xb8;
	[tilespmem:$0x1400] =	vst v63  }
0x9f: {  	_ = 	snop  }
0xa0: {  	[tilespmem:s9], [sflag:$0x1] =	stream.indirect.gather [hbm4b:s18+s19], $0x1, s2, s19, $0xb8;
	[tilespmem:$0x1400] =	vst v63  }
0xa1: {  	_ = 	snop  }
0xa2: {  	[tilespmem:s28], [sflag:$0x1] =	stream.indirect.gather [hbm4b:s18+s19], $0x1, s19, s19, $0xb8;
	[tilespmem:$0x1400] =	vst v63  }
0xa3: {  	_ = 	snop  }
0xa4: {  	[tilespmem:s7], [sflag:$0x1] =	stream.indirect.gather [hbm4b:s18+s19], $0x1, s20, s19, $0xb8;
	[tilespmem:$0x1400] =	vst v63  }
0xa5: {  	_ = 	snop  }
0xa6: {  	[tilespmem:s29], [sflag:$0x1] =	stream.indirect.gather [hbm4b:s18+s19], $0x1, s21, s19, $0xb8;
	[tilespmem:$0x1400] =	vst v63  }
0xa7: {  	_ = 	snop  }
0xa8: {  	[tilespmem:s8], [sflag:$0x1] =	stream.indirect.gather [hbm4b:s16+s19], $0x1, s2, s19, $0xb8;
	[tilespmem:$0x1400] =	vst v63  }
0xa9: {  	_ = 	snop  }
0xaa: {  	[tilespmem:s30], [sflag:$0x1] =	stream.indirect.gather [hbm4b:s16+s19], $0x1, s19, s19, $0xb8;
	[tilespmem:$0x1400] =	vst v63  }
0xab: {  	_ = 	snop  }
0xac: {  	[tilespmem:s6], [sflag:$0x1] =	stream.indirect.gather [hbm4b:s16+s19], $0x1, s20, s19, $0xb8;
	[tilespmem:$0x1400] =	vst v63  }
0xad: {  	_ = 	snop  }
0xae: {  	[tilespmem:s31], [sflag:$0x1] =	stream.indirect.gather [hbm4b:s16+s19], $0x1, s21, s19, $0xb8;
	[tilespmem:$0x1400] =	vst v63  }
0xaf: {  	_ =	swait.ge [sflag:s14], $0x100  }
0xb0: {  	[sflag:s14] =	ssyncset.done $0x0  }
0xb1: {  	[sflag:s14] =	ssyncadd.s32 $0xFFFFFF00  }
0xb2: {  	_ =	swait.ge [sflag:s14], $0x100  }
0xb3: {  	[sflag:s14] =	ssyncset.done $0x0  }
0xb4: {  	[sflag:s14] =	ssyncadd.s32 $0xFFFFFF00  }
0xb5: {  	_ =	swait.ge [sflag:s14], $0x100  }
0xb6: {  	[sflag:s14] =	ssyncset.done $0x0  }
0xb7: {  	[sflag:s14] =	ssyncadd.s32 $0xFFFFFF00  }
0xb8: {  	_ =	swait.ge [sflag:s14], $0x100  }
0xb9: {  	[sflag:s14] =	ssyncset.done $0x0  }
0xba: {  	[sflag:s14] =	ssyncadd.s32 $0xFFFFFF00  }
0xbb: {  	_ =	swait.ge [sflag:s14], $0x100  }
0xbc: {  	[sflag:s14] =	ssyncset.done $0x0  }
0xbd: {  	[sflag:s14] =	ssyncadd.s32 $0xFFFFFF00  }
0xbe: {  	_ =	swait.ge [sflag:s14], $0x100  }
0xbf: {  	[sflag:s14] =	ssyncset.done $0x0  }
0xc0: {  	[sflag:s14] =	ssyncadd.s32 $0xFFFFFF00  }
0xc1: {  	_ =	swait.ge [sflag:s14], $0x100  }
0xc2: {  	[sflag:s14] =	ssyncset.done $0x0  }
0xc3: {  	[sflag:s14] =	ssyncadd.s32 $0xFFFFFF00  }
0xc4: {  	_ =	swait.ge [sflag:s14], $0x100  }
0xc5: {  	[sflag:s14] =	ssyncset.done $0x0  }
0xc6: {  	[sflag:s14] =	ssyncadd.s32 $0xFFFFFF00  }
0xc7: {  	_ =	swait.ge [sflag:s14], $0x100  }
0xc8: {  	[sflag:s14] =	ssyncset.done $0x0  }
0xc9: {  	[sflag:s14] =	ssyncadd.s32 $0xFFFFFF00  }
0xca: {  	_ =	swait.ge [sflag:s14], $0x100  }
0xcb: {  	[sflag:s14] =	ssyncset.done $0x0  }
0xcc: {  	[sflag:s14] =	ssyncadd.s32 $0xFFFFFF00  }
0xcd: {  	_ =	swait.ge [sflag:s14], $0x100  }
0xce: {  	[sflag:s14] =	ssyncset.done $0x0  }
0xcf: {  	[sflag:s14] =	ssyncadd.s32 $0xFFFFFF00  }
0xd0: {  	_ =	swait.ge [sflag:s14], $0x100  }
0xd1: {  	[sflag:s14] =	ssyncset.done $0x0  }
0xd2: {  	[sflag:s14] =	ssyncadd.s32 $0xFFFFFF00  }
0xd3: {  	_ =	swait.ge [sflag:s14], $0x100  }
0xd4: {  	[sflag:s14] =	ssyncset.done $0x0  }
0xd5: {  	[sflag:s14] =	ssyncadd.s32 $0xFFFFFF00  }
0xd6: {  	_ =	swait.ge [sflag:s14], $0x100  }
0xd7: {  	[sflag:s14] =	ssyncset.done $0x0  }
0xd8: {  	[sflag:s14] =	ssyncadd.s32 $0xFFFFFF00  }
0xd9: {  	_ =	swait.ge [sflag:s14], $0x100  }
0xda: {  	[sflag:s14] =	ssyncset.done $0x0  }
0xdb: {  	[sflag:s14] =	ssyncadd.s32 $0xFFFFFF00  }
0xdc: {  	_ =	swait.ge [sflag:s14], $0x100  }
0xdd: {  	[sflag:s14] =	ssyncset.done $0x0  }
0xde: {  	s0 =	rddreg [dreg:$0x4];
	[sflag:s14] =	ssyncadd.s32 $0xFFFFFF00  }
0xdf: {  	[hbm4b:s0+s2] =	stream.linear.scatter [tilespmem:s12], [sflag:$0x2], $0x200, $0x38;
	[tilespmem:$0x1400] =	vst v63  }
0xe0: {  	_ =	swait.ge [sflag:s4], $0x200  }
0xe1: {  	[sflag:s4] =	ssyncset.done $0x0  }
0xe2: {  	s0 =	rddreg [dreg:$0x5];
	[sflag:s4] =	ssyncadd.s32 $0xFFFFFE00  }
0xe3: {  	[hbm4b:s0+s2] =	stream.linear.scatter [tilespmem:s13], [sflag:$0x2], $0x200, $0x38;
	[tilespmem:$0x1400] =	vst v63  }
0xe4: {  	_ =	swait.ge [sflag:s4], $0x200  }
0xe5: {  	[sflag:s4] =	ssyncset.done $0x0  }
0xe6: {  	s0 =	rddreg [dreg:$0x6];
	[sflag:s4] =	ssyncadd.s32 $0xFFFFFE00  }
0xe7: {  	[hbm4b:s0+s2] =	stream.linear.scatter [tilespmem:s11], [sflag:$0x2], $0x200, $0x38;
	[tilespmem:$0x1400] =	vst v63  }
0xe8: {  	_ =	swait.ge [sflag:s4], $0x200  }
0xe9: {  	[sflag:s4] =	ssyncset.done $0x0  }
0xea: {  	s0 =	rddreg [dreg:$0x7];
	[sflag:s4] =	ssyncadd.s32 $0xFFFFFE00  }
0xeb: {  	[hbm4b:s0+s2] =	stream.linear.scatter [tilespmem:s10], [sflag:$0x2], $0x200, $0x38;
	[tilespmem:$0x1400] =	vst v63  }
0xec: {  	_ =	swait.ge [sflag:s4], $0x200  }
0xed: {  	[sflag:s4] =	ssyncset.done $0x0  }
0xee: {  	s0 =	rddreg [dreg:$0x8];
	[sflag:s4] =	ssyncadd.s32 $0xFFFFFE00  }
0xef: {  	[hbm4b:s0+s2] =	stream.linear.scatter [tilespmem:s9], [sflag:$0x2], $0x200, $0x38;
	[tilespmem:$0x1400] =	vst v63  }
0xf0: {  	_ =	swait.ge [sflag:s4], $0x200  }
0xf1: {  	[sflag:s4] =	ssyncset.done $0x0  }
0xf2: {  	s0 =	rddreg [dreg:$0x9];
	[sflag:s4] =	ssyncadd.s32 $0xFFFFFE00  }
0xf3: {  	[hbm4b:s0+s2] =	stream.linear.scatter [tilespmem:s7], [sflag:$0x2], $0x200, $0x38;
	[tilespmem:$0x1400] =	vst v63  }
0xf4: {  	_ =	swait.ge [sflag:s4], $0x200  }
0xf5: {  	[sflag:s4] =	ssyncset.done $0x0  }
0xf6: {  	[sflag:s4] =	ssyncadd.s32 $0xFFFFFE00  }
0xf7: {  	[hbm4b:s5+s2] =	stream.linear.scatter [tilespmem:s8], [sflag:$0x2], $0x200, $0x38;
	[tilespmem:$0x1400] =	vst v63  }
0xf8: {  	p1 =	sne.s32 s1, $0x1;
	_ =	swait.ge [sflag:s4], $0x200  }
.Ltmp2:
0xf9: {  	[sflag:s4] =	ssyncset.done $0x0;
	(pc) =	sbr.rel @p1 .LBB2_2-.Ltmp2, $4  }
0xfa: {  	[sflag:s4] =	ssyncadd.s32 $0xFFFFFE00  }
0xfb: {  	[hbm4b:s3+s2] =	stream.linear.scatter [tilespmem:s6], [sflag:$0x2], $0x200, $0x38;
	[tilespmem:$0x1400] =	vst v63  }
0xfc: {  	_ =	swait.ge [sflag:s4], $0x200  }
0xfd: {  	s1 =	sadd.s32 $0xFFFFFFFF, s1;
	s0 =	rddreg [dreg:$0x3];
	[sflag:s4] =	ssyncset.done $0x0  }
.LBB2_3:
0xfe: {  	[sflag:s4] =	ssyncadd.s32 @p0 $0xFFFFFE00  }
0xff: {  	[tilespmem:s2], [sflag:$0x2] =	stream.strided.gather [hbm4b:s0+s23], $0x400, s12, s23, $0x38;
	[tilespmem:$0x1400] =	vst v63  }
0x100: {  	_ =	swait.ge [sflag:s4], $0x400  }
0x101: {  	[sflag:s4] =	ssyncset.done $0x0  }
0x102: {  	[sflag:s4] =	ssyncadd.s32 $0xFFFFFC00  }
0x103: {  	[tilespmem:s12], [sflag:$0x1] =	stream.indirect.gather [hbm4b:s17+s19], $0x1, s2, s19, $0xb8;
	[tilespmem:$0x1400] =	vst v63  }
0x104: {  	_ = 	snop  }
0x105: {  	[tilespmem:s22], [sflag:$0x1] =	stream.indirect.gather [hbm4b:s17+s19], $0x1, s19, s19, $0xb8;
	[tilespmem:$0x1400] =	vst v63  }
0x106: {  	_ = 	snop  }
0x107: {  	[tilespmem:s13], [sflag:$0x1] =	stream.indirect.gather [hbm4b:s17+s19], $0x1, s20, s19, $0xb8;
	[tilespmem:$0x1400] =	vst v63  }
0x108: {  	_ = 	snop  }
0x109: {  	[tilespmem:s24], [sflag:$0x1] =	stream.indirect.gather [hbm4b:s17+s19], $0x1, s21, s19, $0xb8;
	[tilespmem:$0x1400] =	vst v63  }
0x10a: {  	_ = 	snop  }
0x10b: {  	[tilespmem:s11], [sflag:$0x1] =	stream.indirect.gather [hbm4b:s15+s19], $0x1, s2, s19, $0xb8;
	[tilespmem:$0x1400] =	vst v63  }
0x10c: {  	_ = 	snop  }
0x10d: {  	[tilespmem:s25], [sflag:$0x1] =	stream.indirect.gather [hbm4b:s15+s19], $0x1, s19, s19, $0xb8;
	[tilespmem:$0x1400] =	vst v63  }
0x10e: {  	_ = 	snop  }
0x10f: {  	[tilespmem:s10], [sflag:$0x1] =	stream.indirect.gather [hbm4b:s15+s19], $0x1, s20, s19, $0xb8;
	[tilespmem:$0x1400] =	vst v63  }
0x110: {  	_ = 	snop  }
0x111: {  	[tilespmem:s26], [sflag:$0x1] =	stream.indirect.gather [hbm4b:s15+s19], $0x1, s21, s19, $0xb8;
	[tilespmem:$0x1400] =	vst v63  }
0x112: {  	_ = 	snop  }
0x113: {  	[tilespmem:s9], [sflag:$0x1] =	stream.indirect.gather [hbm4b:s18+s19], $0x1, s2, s19, $0xb8;
	[tilespmem:$0x1400] =	vst v63  }
0x114: {  	_ = 	snop  }
0x115: {  	[tilespmem:s28], [sflag:$0x1] =	stream.indirect.gather [hbm4b:s18+s19], $0x1, s19, s19, $0xb8;
	[tilespmem:$0x1400] =	vst v63  }
0x116: {  	_ = 	snop  }
0x117: {  	[tilespmem:s7], [sflag:$0x1] =	stream.indirect.gather [hbm4b:s18+s19], $0x1, s20, s19, $0xb8;
	[tilespmem:$0x1400] =	vst v63  }
0x118: {  	_ = 	snop  }
0x119: {  	[tilespmem:s29], [sflag:$0x1] =	stream.indirect.gather [hbm4b:s18+s19], $0x1, s21, s19, $0xb8;
	[tilespmem:$0x1400] =	vst v63  }
0x11a: {  	_ = 	snop  }
0x11b: {  	[tilespmem:s8], [sflag:$0x1] =	stream.indirect.gather [hbm4b:s16+s19], $0x1, s2, s19, $0xb8;
	[tilespmem:$0x1400] =	vst v63  }
0x11c: {  	_ = 	snop  }
0x11d: {  	[tilespmem:s30], [sflag:$0x1] =	stream.indirect.gather [hbm4b:s16+s19], $0x1, s19, s19, $0xb8;
	[tilespmem:$0x1400] =	vst v63  }
0x11e: {  	_ = 	snop  }
0x11f: {  	[tilespmem:s6], [sflag:$0x1] =	stream.indirect.gather [hbm4b:s16+s19], $0x1, s20, s19, $0xb8;
	[tilespmem:$0x1400] =	vst v63  }
0x120: {  	_ = 	snop  }
0x121: {  	[tilespmem:s31], [sflag:$0x1] =	stream.indirect.gather [hbm4b:s16+s19], $0x1, s21, s19, $0xb8;
	[tilespmem:$0x1400] =	vst v63  }
0x122: {  	_ =	swait.ge [sflag:s14], $0x100  }
0x123: {  	[sflag:s14] =	ssyncset.done $0x0  }
0x124: {  	[sflag:s14] =	ssyncadd.s32 $0xFFFFFF00  }
0x125: {  	_ =	swait.ge [sflag:s14], $0x100  }
0x126: {  	[sflag:s14] =	ssyncset.done $0x0  }
0x127: {  	[sflag:s14] =	ssyncadd.s32 $0xFFFFFF00  }
0x128: {  	_ =	swait.ge [sflag:s14], $0x100  }
0x129: {  	[sflag:s14] =	ssyncset.done $0x0  }
0x12a: {  	[sflag:s14] =	ssyncadd.s32 $0xFFFFFF00  }
0x12b: {  	_ =	swait.ge [sflag:s14], $0x100  }
0x12c: {  	[sflag:s14] =	ssyncset.done $0x0  }
0x12d: {  	[sflag:s14] =	ssyncadd.s32 $0xFFFFFF00  }
0x12e: {  	_ =	swait.ge [sflag:s14], $0x100  }
0x12f: {  	[sflag:s14] =	ssyncset.done $0x0  }
0x130: {  	[sflag:s14] =	ssyncadd.s32 $0xFFFFFF00  }
0x131: {  	_ =	swait.ge [sflag:s14], $0x100  }
0x132: {  	[sflag:s14] =	ssyncset.done $0x0  }
0x133: {  	[sflag:s14] =	ssyncadd.s32 $0xFFFFFF00  }
0x134: {  	_ =	swait.ge [sflag:s14], $0x100  }
0x135: {  	[sflag:s14] =	ssyncset.done $0x0  }
0x136: {  	[sflag:s14] =	ssyncadd.s32 $0xFFFFFF00  }
0x137: {  	_ =	swait.ge [sflag:s14], $0x100  }
0x138: {  	[sflag:s14] =	ssyncset.done $0x0  }
0x139: {  	[sflag:s14] =	ssyncadd.s32 $0xFFFFFF00  }
0x13a: {  	_ =	swait.ge [sflag:s14], $0x100  }
0x13b: {  	[sflag:s14] =	ssyncset.done $0x0  }
0x13c: {  	[sflag:s14] =	ssyncadd.s32 $0xFFFFFF00  }
0x13d: {  	_ =	swait.ge [sflag:s14], $0x100  }
0x13e: {  	[sflag:s14] =	ssyncset.done $0x0  }
0x13f: {  	[sflag:s14] =	ssyncadd.s32 $0xFFFFFF00  }
0x140: {  	_ =	swait.ge [sflag:s14], $0x100  }
0x141: {  	[sflag:s14] =	ssyncset.done $0x0  }
0x142: {  	[sflag:s14] =	ssyncadd.s32 $0xFFFFFF00  }
0x143: {  	_ =	swait.ge [sflag:s14], $0x100  }
0x144: {  	[sflag:s14] =	ssyncset.done $0x0  }
0x145: {  	[sflag:s14] =	ssyncadd.s32 $0xFFFFFF00  }
0x146: {  	_ =	swait.ge [sflag:s14], $0x100  }
0x147: {  	[sflag:s14] =	ssyncset.done $0x0  }
0x148: {  	[sflag:s14] =	ssyncadd.s32 $0xFFFFFF00  }
0x149: {  	_ =	swait.ge [sflag:s14], $0x100  }
0x14a: {  	[sflag:s14] =	ssyncset.done $0x0  }
0x14b: {  	[sflag:s14] =	ssyncadd.s32 $0xFFFFFF00  }
0x14c: {  	_ =	swait.ge [sflag:s14], $0x100  }
0x14d: {  	[sflag:s14] =	ssyncset.done $0x0  }
0x14e: {  	[sflag:s14] =	ssyncadd.s32 $0xFFFFFF00  }
0x14f: {  	_ =	swait.ge [sflag:s14], $0x100  }
0x150: {  	[sflag:s14] =	ssyncset.done $0x0  }
0x151: {  	s24 =	rddreg [dreg:$0x4];
	[sflag:s14] =	ssyncadd.s32 $0xFFFFFF00  }
0x152: {  	[hbm4b:s24+s2] =	stream.linear.scatter [tilespmem:s12], [sflag:$0x2], $0x200, $0x38;
	[tilespmem:$0x1400] =	vst v63  }
0x153: {  	_ =	swait.ge [sflag:s4], $0x200  }
0x154: {  	[sflag:s4] =	ssyncset.done $0x0  }
0x155: {  	s25 =	rddreg [dreg:$0x5];
	[sflag:s4] =	ssyncadd.s32 $0xFFFFFE00  }
0x156: {  	[hbm4b:s25+s2] =	stream.linear.scatter [tilespmem:s13], [sflag:$0x2], $0x200, $0x38;
	[tilespmem:$0x1400] =	vst v63  }
0x157: {  	_ =	swait.ge [sflag:s4], $0x200  }
0x158: {  	[sflag:s4] =	ssyncset.done $0x0  }
0x159: {  	s26 =	rddreg [dreg:$0x6];
	[sflag:s4] =	ssyncadd.s32 $0xFFFFFE00  }
0x15a: {  	[hbm4b:s26+s2] =	stream.linear.scatter [tilespmem:s11], [sflag:$0x2], $0x200, $0x38;
	[tilespmem:$0x1400] =	vst v63  }
0x15b: {  	_ =	swait.ge [sflag:s4], $0x200  }
0x15c: {  	[sflag:s4] =	ssyncset.done $0x0  }
0x15d: {  	s28 =	rddreg [dreg:$0x7];
	[sflag:s4] =	ssyncadd.s32 $0xFFFFFE00  }
0x15e: {  	[hbm4b:s28+s2] =	stream.linear.scatter [tilespmem:s10], [sflag:$0x2], $0x200, $0x38;
	[tilespmem:$0x1400] =	vst v63  }
0x15f: {  	_ =	swait.ge [sflag:s4], $0x200  }
0x160: {  	[sflag:s4] =	ssyncset.done $0x0  }
0x161: {  	s29 =	rddreg [dreg:$0x8];
	[sflag:s4] =	ssyncadd.s32 $0xFFFFFE00  }
0x162: {  	[hbm4b:s29+s2] =	stream.linear.scatter [tilespmem:s9], [sflag:$0x2], $0x200, $0x38;
	[tilespmem:$0x1400] =	vst v63  }
0x163: {  	_ =	swait.ge [sflag:s4], $0x200  }
0x164: {  	[sflag:s4] =	ssyncset.done $0x0  }
0x165: {  	s30 =	rddreg [dreg:$0x9];
	[sflag:s4] =	ssyncadd.s32 $0xFFFFFE00  }
0x166: {  	[hbm4b:s30+s2] =	stream.linear.scatter [tilespmem:s7], [sflag:$0x2], $0x200, $0x38;
	[tilespmem:$0x1400] =	vst v63  }
0x167: {  	_ =	swait.ge [sflag:s4], $0x200  }
0x168: {  	[sflag:s4] =	ssyncset.done $0x0  }
0x169: {  	[sflag:s4] =	ssyncadd.s32 $0xFFFFFE00  }
0x16a: {  	[hbm4b:s5+s2] =	stream.linear.scatter [tilespmem:s8], [sflag:$0x2], $0x200, $0x38;
	[tilespmem:$0x1400] =	vst v63  }
0x16b: {  	_ =	swait.ge [sflag:s4], $0x200  }
0x16c: {  	[sflag:s4] =	ssyncset.done $0x0  }
0x16d: {  	[sflag:s4] =	ssyncadd.s32 $0xFFFFFE00  }
0x16e: {  	[hbm4b:s3+s2] =	stream.linear.scatter [tilespmem:s6], [sflag:$0x2], $0x200, $0x38;
	[tilespmem:$0x1400] =	vst v63  }
0x16f: {  	_ =	swait.ge [sflag:s4], $0x200  }
0x170: {  	[sflag:s4] =	ssyncset.done $0x0  }
0x171: {  	[sflag:s4] =	ssyncadd.s32 $0xFFFFFE00  }
0x172: {  	_ =	sfence.sel $0x180000  }
0x173: {  	[bflag:$0x0] =	sbarrier.arrive $0xFFFF  }
0x174: {  	_ =	strace $0x90000047  }
0x175: {  	s31 =	stileid.u32;
	[bflag:$0x2] =	sbarrier.arrive $0xFFFF  }
0x176: {  	p0 =	sne.s32 s31, $0x0;
	s0 =	rddreg [dreg:$0x2]  }
0x177: {  	s0 =	sadd.s32 @!p0 $0x100000, s0  }
0x178: {  	[sflag:s0] =	ssyncadd.tile.s32 @!p0 $0x1;
	_ =	shalt  }
.Lfunc_end2:
_tile_overlayer_lowered:
.L_overlay_start_2:
0x179: {  	(tag) =	ssettag $0x2  }
0x17a: {  	s0 =	rddreg [dreg:$0x0];
	s2 =	stileid.u32  }
0x17b: {  	s1 =	rddreg [dreg:$0x1];
	p0 =	sne.s32 s2, $0x0  }
0x17c: {  	s3 =	rddreg [dreg:$0x2];
	[bflag:$0x3] =	sbarrier.arrive $0xFFFF;
	s2 =	simm.s32 @!p0 $0x1C02  }
0x17d: {  	[timem:s3], [sflag:s2] =	dma.local @!p0 [hbm:s0], s1  }
0x17e: {  	s0 =	simm.s32 @!p0 $0x2  }
0x17f: {  	_ =	swait.ge @!p0 [sflag:s0], s1  }
0x180: {  	s1 =	ssub.s32 @!p0 $0x0, s1;
	[sflag:s0] =	ssyncset.done @!p0 $0x0  }
0x181: {  	[sflag:s0] =	ssyncadd.s32 @!p0 s1  }
0x182: {  	[bflag:$0x3] =	sbarrier.arrive $0xFFFF  }
0x183: {  	_ =	shalt  }

</sc_bundles>
